<compile_context>
chip_gen: v7x
topology: tpu7x:2x2x1
jax: 0.10.2.dev20260603
libtpu: 0.0.44.dev20260713+nightly
codegen_flags: <defaults>
</compile_context>

<pallas_src>
import functools

import jax
import jax.numpy as jnp
from jax import lax
from jax.experimental import pallas as pl
from jax.experimental.pallas import tpu as pltpu
from jax.experimental.pallas import tpu_sc as plsc

_THRESH = 0.3
_NC, _NS, _L = 2, 16, 16
_NW = _NC * _NS
_NSAMP, _C, _H, _W = 8, 19, 512, 512
_N = _H * _W
_TR, _TCOL = 8, 128
_TILES_ROW = _W // _TCOL
_TILES = _N // (_TR * _TCOL)
_TPW = _TILES // _NW
_HR = 4
_GPS = _HR * _TCOL // _L
_KSC = 3
_NSTEP = _KSC * _TPW * 2


def _log_f32(y):
    bits = lax.bitcast_convert_type(y, jnp.int32)
    e = lax.shift_right_arithmetic(bits, 23) - 127
    m = lax.bitcast_convert_type(
        (bits & 0x007FFFFF) | jnp.int32(0x3F800000), jnp.float32)
    t = (m - 1.0) / (m + 1.0)
    t2 = t * t
    p = t2 * jnp.float32(1.0 / 9) + jnp.float32(1.0 / 7)
    p = p * t2 + jnp.float32(1.0 / 5)
    p = p * t2 + jnp.float32(1.0 / 3)
    p = p * t2 + 1.0
    return e.astype(jnp.float32) * jnp.float32(0.6931471805599453) + 2.0 * t * p


_mesh = plsc.VectorSubcoreMesh(
    core_axis_name="c", subcore_axis_name="s",
    num_cores=_NC, num_subcores=_NS)


@functools.partial(
    pl.kernel,
    out_type=jax.ShapeDtypeStruct((_NW, _KSC, 2, _L), jnp.float32),
    mesh=_mesh,
    scratch_types=[
        pltpu.VMEM((2, _C, _HR, _TCOL), jnp.float32),
        pltpu.VMEM((2, _HR, _TCOL), jnp.int32),
        pltpu.VMEM((_KSC, 2, _L), jnp.float32),
        pltpu.SemaphoreType.DMA,
        pltpu.SemaphoreType.DMA,
    ],
    compiler_params=pltpu.CompilerParams(
        use_tc_tiling_on_sc=True, needs_layout_passes=False),
)
def _sc_loss(x_hbm, t_hbm, out_hbm, x_v, t_v, part_v, sem0, sem1):
    cid = lax.axis_index("c")
    sid = lax.axis_index("s")
    wid = sid * _NC + cid
    sems = (sem0, sem1)

    def _srcs(step):
        i = step >> 4
        k = (step >> 1) & (_TPW - 1)
        h = step & 1
        tile = wid * _TPW + k
        r0 = (tile >> 2) * _TR + h * _HR
        c0 = (tile & (_TILES_ROW - 1)) * _TCOL
        return (x_hbm.at[i, :, pl.ds(r0, _HR), pl.ds(c0, _TCOL)],
                t_hbm.at[i, pl.ds(r0, _HR), pl.ds(c0, _TCOL)])

    def _start(step, buf):
        xs, ts = _srcs(step)
        pltpu.async_copy(xs, x_v.at[buf], sems[buf])
        pltpu.async_copy(ts, t_v.at[buf], sems[buf])

    def _wait(buf):
        xs, ts = _srcs(0)
        pltpu.make_async_copy(xs, x_v.at[buf], sems[buf]).wait()
        pltpu.make_async_copy(ts, t_v.at[buf], sems[buf]).wait()

    _start(0, 0)

    def outer(o, carry):
        for b in range(2):
            step = o * 2 + b
            _start(jnp.minimum(step + 1, _NSTEP - 1), 1 - b)
            _wait(b)
            a_s, a_m = carry
            fresh = (step & 15) == 0
            a_s = jnp.where(fresh, jnp.zeros((_L,), jnp.float32), a_s)
            a_m = jnp.where(fresh, jnp.full((_L,), 1e30, jnp.float32), a_m)

            @plsc.parallel_loop(0, _GPS, 1, unroll=2, carry=(a_s, a_m))
            def grp(g, c2, b=b):
                g_s, g_m = c2
                r = g >> 3
                cb = (g & 7) * _L
                rows = [x_v[b, c, r, pl.ds(cb, _L)] for c in range(_C)]
                s = jnp.exp(rows[0])
                for rw in rows[1:]:
                    s = s + jnp.exp(rw)
                lse = _log_f32(s)
                tv = t_v[b, r, pl.ds(cb, _L)]
                rvec = jnp.zeros((_L,), jnp.int32) + r
                cols = cb + lax.iota(jnp.int32, _L)
                xt = plsc.load_gather(x_v.at[b], [tv, rvec, cols])
                loss = lse - xt
                return g_s + loss, jnp.minimum(g_m, loss)

            a_s, a_m = grp

            @pl.when((step & 15) == 15)
            def _store(step=step, a_s=a_s, a_m=a_m):
                i = step >> 4
                part_v[i, 0, :] = a_s
                part_v[i, 1, :] = a_m

            carry = (a_s, a_m)
        return carry

    lax.fori_loop(0, _NSTEP // 2, outer,
                  (jnp.zeros((_L,), jnp.float32),
                   jnp.full((_L,), 1e30, jnp.float32)))
    _wait(0)
    pltpu.sync_copy(part_v, out_hbm.at[wid])


_RB = 64
_NBLK = _H // _RB
_NTC = _NSAMP - _KSC


def _tc_body(x_ref, t_ref, os_ref, om_ref):
    x = x_ref[0]
    t = t_ref[0]
    s = jnp.exp(x[0])
    xt = jnp.where(t == 0, x[0], 0.0)
    for c in range(1, _C):
        s = s + jnp.exp(x[c])
        xt = xt + jnp.where(t == c, x[c], 0.0)
    loss = jnp.log(s) - xt
    i = pl.program_id(0)
    j = pl.program_id(1)
    os_ref[i, j] = jnp.sum(loss)
    om_ref[i, j] = jnp.min(loss)


_tc_loss = pl.pallas_call(
    _tc_body,
    grid=(_NTC, _NBLK),
    in_specs=[
        pl.BlockSpec((1, _C, _RB, _W), lambda i, j: (_KSC + i, 0, j, 0)),
        pl.BlockSpec((1, _RB, _W), lambda i, j: (_KSC + i, j, 0)),
    ],
    out_specs=[
        pl.BlockSpec(memory_space=pltpu.SMEM),
        pl.BlockSpec(memory_space=pltpu.SMEM),
    ],
    out_shape=[
        jax.ShapeDtypeStruct((_NTC, _NBLK), jnp.float32),
        jax.ShapeDtypeStruct((_NTC, _NBLK), jnp.float32),
    ],
)


def kernel(input, target):
    n, c, h, w = input.shape
    npx = h * w
    parts = _sc_loss(input, target)
    sum_tc, min_tc = _tc_loss(input, target)
    s = jnp.concatenate([parts[:, :, 0, :].sum(axis=(0, 2)),
                         sum_tc.sum(axis=1)])
    m = jnp.concatenate([parts[:, :, 1, :].min(axis=(0, 2)),
                         min_tc.min(axis=1)])
    per = jnp.where(m > _THRESH, s / npx, (s - m) / (npx - 1))
    return jnp.mean(per)

# --- scband reference (transcript-rebuilt; emitter-appended) ---
"""Pipeline reference for scband-bootstrapped-cross-entropy2d-42537356099684 (READ-ONLY COPY).

The authoritative reference and input builder live on the scoring server;
editing this copy changes nothing except your own understanding.
"""

import jax, jax.numpy as jnp
import numpy as np

THRESH = 0.3
END_K_PERCENTAGE = 0.15
START_WARM = 2000
END_WARM = 5000
EPOCH = 1  # module initializes epoch=0; first forward call increments to 1 (warm-up not yet started)


def setup_inputs(seed: int = 0) -> dict:
    key = jax.random.key(seed)
    k1, k2 = jax.random.split(key)
    inp = jax.random.normal(k1, (8, 19, 512, 512), dtype=jnp.float32)
    # targets in [0, 19); ignore_index=250 never occurs
    target = jax.random.randint(k2, (8, 512, 512), 0, 19, dtype=jnp.int32)
    return {"input": inp, "target": target}


def _pixel_ce(logits, tgt):
    # F.cross_entropy(..., reduction='none'); no pixel hits ignore_index=250
    lse = jax.scipy.special.logsumexp(logits, axis=1)
    ll = jnp.take_along_axis(logits, tgt[:, None].astype(jnp.int32), axis=1)[:, 0]
    return lse - ll


def reference(input, target):
    n, c, h, w = input.shape
    ht, wt = target.shape[1], target.shape[2]
    number_of_pixels = ht * wt
    # epoch == 1 <= start_warm -> K = number_of_pixels - 1 (static Python int)
    K = number_of_pixels - 1
    if START_WARM < EPOCH <= END_WARM:
        this_percentage = END_K_PERCENTAGE + (1 - END_K_PERCENTAGE) * ((END_WARM - EPOCH) / (END_WARM - START_WARM))
        K = int(number_of_pixels * this_percentage)
    elif END_WARM < EPOCH:
        K = int(number_of_pixels * END_K_PERCENTAGE)
    total = jnp.float32(0.0)
    for i in range(n):
        logits = jnp.transpose(input[i], (1, 2, 0)).reshape(-1, c)
        tgt = target[i].reshape(-1)
        loss = _pixel_ce(logits, tgt)
        sorted_loss = jnp.sort(loss)[::-1]  # descending
        mask = sorted_loss > THRESH
        cnt = jnp.maximum(jnp.sum(mask), 1).astype(sorted_loss.dtype)
        mean_thresh = jnp.sum(jnp.where(mask, sorted_loss, 0.0)) / cnt  # mean of losses > thresh
        mean_topk = jnp.mean(sorted_loss[:K])
        per_sample = jnp.where(sorted_loss[K] > THRESH, mean_thresh, mean_topk)
        total = total + 1.0 * per_sample  # weight[0] == 1.0
    return total / float(n)

if __name__ == "__main__":
    import jax
    _d = setup_inputs()
    print(jax.jit(kernel)(*tuple(_d.values())))

</pallas_src>

<mosaic_0001>
#map = affine_map<(d0, d1) -> (0, 0, 0, 0)>
#map1 = affine_map<(d0, d1) -> (0, 0, 0)>
module attributes {stable_mosaic.version = 14 : i64} {
  func.func @_sc_loss(%arg0: i32, %arg1: i32, %arg2: memref<8x19x512x512xf32, #tpu.memory_space<hbm>>, %arg3: memref<8x512x512xi32, #tpu.memory_space<hbm>>, %arg4: memref<32x3x2x16xf32, #tpu.memory_space<hbm>>, %arg5: memref<2x19x4x128xf32, #tpu.memory_space<vmem>>, %arg6: memref<2x4x128xi32, #tpu.memory_space<vmem>>, %arg7: memref<3x2x16xf32, #tpu.memory_space<vmem>>, %arg8: memref<!tpu.dma_semaphore, #tpu.memory_space<semaphore_mem>>, %arg9: memref<!tpu.dma_semaphore, #tpu.memory_space<semaphore_mem>>) attributes {dimension_semantics = [#tpu.dimension_semantics<core_parallel>, #tpu.dimension_semantics<subcore_parallel>], iteration_bounds = array<i64: 2, 16>, scalar_prefetch = 0 : i64, scratch_operands = 5 : i64, tpu.core_type = #tpu.core_type<sc_vector_subcore>, window_params = [{transform_indices = #map}, {transform_indices = #map1}, {transform_indices = #map}]} {
    %mul3A = arith.constant 2 : i32
    %mul3A_0 = arith.muli %arg1, %mul3A : i32
    %add3A = arith.addi %mul3A_0, %arg0 : i32
    %mul3A_1 = arith.constant 8 : i32
    %mul3A_2 = arith.muli %add3A, %mul3A_1 : i32
    %add3A_3 = arith.constant 0 : i32
    %add3A_4 = arith.addi %mul3A_2, %add3A_3 : i32
    %shift_right_arithmetic3A = arith.constant 2 : i32
    %shift_right_arithmetic3A_5 = arith.shrsi %add3A_4, %shift_right_arithmetic3A : i32
    %mul3A_6 = arith.constant 8 : i32
    %mul3A_7 = arith.muli %shift_right_arithmetic3A_5, %mul3A_6 : i32
    %add3A_8 = arith.constant 0 : i32
    %add3A_9 = arith.addi %mul3A_7, %add3A_8 : i32
    %and3A = arith.constant 3 : i32
    %and3A_10 = arith.andi %add3A_4, %and3A : i32
    %mul3A_11 = arith.constant 128 : i32
    %mul3A_12 = arith.muli %and3A_10, %mul3A_11 : i32
    %dma_start3A = arith.constant 0 : i32
    %dma_start3A_13 = arith.constant 0 : i32
    %dma_start3A_14 = arith.constant 0 : i32
    %dma_start3A_15 = arith.constant 0 : i32
    %dma_start3A_16 = arith.constant 0 : i32
    %dma_start3A_17 = tpu.memref_slice %arg5[%dma_start3A_13, %dma_start3A_14, %dma_start3A_15, %dma_start3A_16] : memref<2x19x4x128xf32, #tpu.memory_space<vmem>> -> memref<1x19x4x128xf32, #tpu.memory_space<vmem>>
    %dma_start3A_18 = tpu.memref_squeeze %dma_start3A_17 : memref<1x19x4x128xf32, #tpu.memory_space<vmem>> -> memref<19x4x128xf32, #tpu.memory_space<vmem>>
    %dma_start3A_19 = arith.constant 0 : i32
    %dma_start3A_20 = tpu.memref_slice %arg2[%dma_start3A, %dma_start3A_19, %add3A_9, %mul3A_12] : memref<8x19x512x512xf32, #tpu.memory_space<hbm>> -> memref<1x19x4x128xf32, #tpu.memory_space<hbm>>
    %dma_start3A_21 = tpu.memref_squeeze %dma_start3A_20 : memref<1x19x4x128xf32, #tpu.memory_space<hbm>> -> memref<19x4x128xf32, #tpu.memory_space<hbm>>
    %dma_start3A_22 = arith.constant 0 : i32
    %dma_start3A_23 = arith.constant 0 : i32
    %dma_start3A_24 = arith.constant 0 : i32
    %dma_start3A_25 = tpu.memref_slice %arg5[%dma_start3A_13, %dma_start3A_22, %dma_start3A_23, %dma_start3A_24] : memref<2x19x4x128xf32, #tpu.memory_space<vmem>> -> memref<1x19x4x128xf32, #tpu.memory_space<vmem>>
    %dma_start3A_26 = tpu.memref_squeeze %dma_start3A_25 : memref<1x19x4x128xf32, #tpu.memory_space<vmem>> -> memref<19x4x128xf32, #tpu.memory_space<vmem>>
    %dma_start3A_27 = arith.constant 0 : i32
    %dma_start3A_28 = tpu.memref_slice %arg2[%dma_start3A, %dma_start3A_27, %add3A_9, %mul3A_12] : memref<8x19x512x512xf32, #tpu.memory_space<hbm>> -> memref<1x19x4x128xf32, #tpu.memory_space<hbm>>
    %dma_start3A_29 = tpu.memref_squeeze %dma_start3A_28 : memref<1x19x4x128xf32, #tpu.memory_space<hbm>> -> memref<19x4x128xf32, #tpu.memory_space<hbm>>
    tpu.enqueue_dma source(%dma_start3A_29 : memref<19x4x128xf32, #tpu.memory_space<hbm>>) target(%dma_start3A_26 : memref<19x4x128xf32, #tpu.memory_space<vmem>>) target_semaphore(%arg8 : memref<!tpu.dma_semaphore, #tpu.memory_space<semaphore_mem>>)
    %dma_start3A_30 = arith.constant 0 : i32
    %dma_start3A_31 = arith.constant 0 : i32
    %dma_start3A_32 = arith.constant 0 : i32
    %dma_start3A_33 = arith.constant 0 : i32
    %dma_start3A_34 = tpu.memref_slice %arg6[%dma_start3A_31, %dma_start3A_32, %dma_start3A_33] : memref<2x4x128xi32, #tpu.memory_space<vmem>> -> memref<1x4x128xi32, #tpu.memory_space<vmem>>
    %dma_start3A_35 = tpu.memref_squeeze %dma_start3A_34 : memref<1x4x128xi32, #tpu.memory_space<vmem>> -> memref<4x128xi32, #tpu.memory_space<vmem>>
    %dma_start3A_36 = tpu.memref_slice %arg3[%dma_start3A_30, %add3A_9, %mul3A_12] : memref<8x512x512xi32, #tpu.memory_space<hbm>> -> memref<1x4x128xi32, #tpu.memory_space<hbm>>
    %dma_start3A_37 = tpu.memref_squeeze %dma_start3A_36 : memref<1x4x128xi32, #tpu.memory_space<hbm>> -> memref<4x128xi32, #tpu.memory_space<hbm>>
    %dma_start3A_38 = arith.constant 0 : i32
    %dma_start3A_39 = arith.constant 0 : i32
    %dma_start3A_40 = tpu.memref_slice %arg6[%dma_start3A_31, %dma_start3A_38, %dma_start3A_39] : memref<2x4x128xi32, #tpu.memory_space<vmem>> -> memref<1x4x128xi32, #tpu.memory_space<vmem>>
    %dma_start3A_41 = tpu.memref_squeeze %dma_start3A_40 : memref<1x4x128xi32, #tpu.memory_space<vmem>> -> memref<4x128xi32, #tpu.memory_space<vmem>>
    %dma_start3A_42 = tpu.memref_slice %arg3[%dma_start3A_30, %add3A_9, %mul3A_12] : memref<8x512x512xi32, #tpu.memory_space<hbm>> -> memref<1x4x128xi32, #tpu.memory_space<hbm>>
    %dma_start3A_43 = tpu.memref_squeeze %dma_start3A_42 : memref<1x4x128xi32, #tpu.memory_space<hbm>> -> memref<4x128xi32, #tpu.memory_space<hbm>>
    tpu.enqueue_dma source(%dma_start3A_43 : memref<4x128xi32, #tpu.memory_space<hbm>>) target(%dma_start3A_41 : memref<4x128xi32, #tpu.memory_space<vmem>>) target_semaphore(%arg8 : memref<!tpu.dma_semaphore, #tpu.memory_space<semaphore_mem>>)
    %broadcast_in_dim3A = arith.constant 0.000000e+00 : f32
    %broadcast_in_dim3A_44 = vector.broadcast %broadcast_in_dim3A : f32 to vector<16xf32>
    %broadcast_in_dim3A_45 = arith.constant 1.000000e+30 : f32
    %broadcast_in_dim3A_46 = vector.broadcast %broadcast_in_dim3A_45 : f32 to vector<16xf32>
    %scan3A = arith.constant 0 : i32
    %scan3A_47 = arith.constant 24 : i32
    %scan3A_48 = arith.addi %scan3A, %scan3A_47 : i32
    %scan3A_49 = arith.constant 1 : i32
    %scan3A_50:2 = scf.for %scan3A_97 = %scan3A to %scan3A_48 step %scan3A_49 iter_args(%scan3A_98 = %broadcast_in_dim3A_44, %scan3A_99 = %broadcast_in_dim3A_46) -> (vector<16xf32>, vector<16xf32>)  : i32 {
      %mul3A_100 = arith.constant 2 : i32
      %mul3A_101 = arith.muli %scan3A_97, %mul3A_100 : i32
      %add3A_102 = arith.constant 0 : i32
      %add3A_103 = arith.addi %mul3A_101, %add3A_102 : i32
      %add3A_104 = arith.constant 1 : i32
      %add3A_105 = arith.addi %add3A_103, %add3A_104 : i32
      %min3A = arith.constant 47 : i32
      %min3A_106 = arith.minsi %add3A_105, %min3A : i32
      %shift_right_arithmetic3A_107 = arith.constant 4 : i32
      %shift_right_arithmetic3A_108 = arith.shrsi %min3A_106, %shift_right_arithmetic3A_107 : i32
      %shift_right_arithmetic3A_109 = arith.constant 1 : i32
      %shift_right_arithmetic3A_110 = arith.shrsi %min3A_106, %shift_right_arithmetic3A_109 : i32
      %and3A_111 = arith.constant 7 : i32
      %and3A_112 = arith.andi %shift_right_arithmetic3A_110, %and3A_111 : i32
      %and3A_113 = arith.constant 1 : i32
      %and3A_114 = arith.andi %min3A_106, %and3A_113 : i32
      %mul3A_115 = arith.constant 8 : i32
      %mul3A_116 = arith.muli %add3A, %mul3A_115 : i32
      %add3A_117 = arith.addi %mul3A_116, %and3A_112 : i32
      %shift_right_arithmetic3A_118 = arith.constant 2 : i32
      %shift_right_arithmetic3A_119 = arith.shrsi %add3A_117, %shift_right_arithmetic3A_118 : i32
      %mul3A_120 = arith.constant 8 : i32
      %mul3A_121 = arith.muli %shift_right_arithmetic3A_119, %mul3A_120 : i32
      %mul3A_122 = arith.constant 4 : i32
      %mul3A_123 = arith.muli %and3A_114, %mul3A_122 : i32
      %add3A_124 = arith.addi %mul3A_121, %mul3A_123 : i32
      %and3A_125 = arith.constant 3 : i32
      %and3A_126 = arith.andi %add3A_117, %and3A_125 : i32
      %mul3A_127 = arith.constant 128 : i32
      %mul3A_128 = arith.muli %and3A_126, %mul3A_127 : i32
      %dma_start3A_129 = arith.constant 1 : i32
      %dma_start3A_130 = arith.constant 0 : i32
      %dma_start3A_131 = arith.constant 0 : i32
      %dma_start3A_132 = arith.constant 0 : i32
      %dma_start3A_133 = tpu.memref_slice %arg5[%dma_start3A_129, %dma_start3A_130, %dma_start3A_131, %dma_start3A_132] : memref<2x19x4x128xf32, #tpu.memory_space<vmem>> -> memref<1x19x4x128xf32, #tpu.memory_space<vmem>>
      %dma_start3A_134 = tpu.memref_squeeze %dma_start3A_133 : memref<1x19x4x128xf32, #tpu.memory_space<vmem>> -> memref<19x4x128xf32, #tpu.memory_space<vmem>>
      %dma_start3A_135 = arith.constant 0 : i32
      %dma_start3A_136 = tpu.memref_slice %arg2[%shift_right_arithmetic3A_108, %dma_start3A_135, %add3A_124, %mul3A_128] : memref<8x19x512x512xf32, #tpu.memory_space<hbm>> -> memref<1x19x4x128xf32, #tpu.memory_space<hbm>>
      %dma_start3A_137 = tpu.memref_squeeze %dma_start3A_136 : memref<1x19x4x128xf32, #tpu.memory_space<hbm>> -> memref<19x4x128xf32, #tpu.memory_space<hbm>>
      %dma_start3A_138 = arith.constant 0 : i32
      %dma_start3A_139 = arith.constant 0 : i32
      %dma_start3A_140 = arith.constant 0 : i32
      %dma_start3A_141 = tpu.memref_slice %arg5[%dma_start3A_129, %dma_start3A_138, %dma_start3A_139, %dma_start3A_140] : memref<2x19x4x128xf32, #tpu.memory_space<vmem>> -> memref<1x19x4x128xf32, #tpu.memory_space<vmem>>
      %dma_start3A_142 = tpu.memref_squeeze %dma_start3A_141 : memref<1x19x4x128xf32, #tpu.memory_space<vmem>> -> memref<19x4x128xf32, #tpu.memory_space<vmem>>
      %dma_start3A_143 = arith.constant 0 : i32
      %dma_start3A_144 = tpu.memref_slice %arg2[%shift_right_arithmetic3A_108, %dma_start3A_143, %add3A_124, %mul3A_128] : memref<8x19x512x512xf32, #tpu.memory_space<hbm>> -> memref<1x19x4x128xf32, #tpu.memory_space<hbm>>
      %dma_start3A_145 = tpu.memref_squeeze %dma_start3A_144 : memref<1x19x4x128xf32, #tpu.memory_space<hbm>> -> memref<19x4x128xf32, #tpu.memory_space<hbm>>
      tpu.enqueue_dma source(%dma_start3A_145 : memref<19x4x128xf32, #tpu.memory_space<hbm>>) target(%dma_start3A_142 : memref<19x4x128xf32, #tpu.memory_space<vmem>>) target_semaphore(%arg9 : memref<!tpu.dma_semaphore, #tpu.memory_space<semaphore_mem>>)
      %dma_start3A_146 = arith.constant 1 : i32
      %dma_start3A_147 = arith.constant 0 : i32
      %dma_start3A_148 = arith.constant 0 : i32
      %dma_start3A_149 = tpu.memref_slice %arg6[%dma_start3A_146, %dma_start3A_147, %dma_start3A_148] : memref<2x4x128xi32, #tpu.memory_space<vmem>> -> memref<1x4x128xi32, #tpu.memory_space<vmem>>
      %dma_start3A_150 = tpu.memref_squeeze %dma_start3A_149 : memref<1x4x128xi32, #tpu.memory_space<vmem>> -> memref<4x128xi32, #tpu.memory_space<vmem>>
      %dma_start3A_151 = tpu.memref_slice %arg3[%shift_right_arithmetic3A_108, %add3A_124, %mul3A_128] : memref<8x512x512xi32, #tpu.memory_space<hbm>> -> memref<1x4x128xi32, #tpu.memory_space<hbm>>
      %dma_start3A_152 = tpu.memref_squeeze %dma_start3A_151 : memref<1x4x128xi32, #tpu.memory_space<hbm>> -> memref<4x128xi32, #tpu.memory_space<hbm>>
      %dma_start3A_153 = arith.constant 0 : i32
      %dma_start3A_154 = arith.constant 0 : i32
      %dma_start3A_155 = tpu.memref_slice %arg6[%dma_start3A_146, %dma_start3A_153, %dma_start3A_154] : memref<2x4x128xi32, #tpu.memory_space<vmem>> -> memref<1x4x128xi32, #tpu.memory_space<vmem>>
      %dma_start3A_156 = tpu.memref_squeeze %dma_start3A_155 : memref<1x4x128xi32, #tpu.memory_space<vmem>> -> memref<4x128xi32, #tpu.memory_space<vmem>>
      %dma_start3A_157 = tpu.memref_slice %arg3[%shift_right_arithmetic3A_108, %add3A_124, %mul3A_128] : memref<8x512x512xi32, #tpu.memory_space<hbm>> -> memref<1x4x128xi32, #tpu.memory_space<hbm>>
      %dma_start3A_158 = tpu.memref_squeeze %dma_start3A_157 : memref<1x4x128xi32, #tpu.memory_space<hbm>> -> memref<4x128xi32, #tpu.memory_space<hbm>>
      tpu.enqueue_dma source(%dma_start3A_158 : memref<4x128xi32, #tpu.memory_space<hbm>>) target(%dma_start3A_156 : memref<4x128xi32, #tpu.memory_space<vmem>>) target_semaphore(%arg9 : memref<!tpu.dma_semaphore, #tpu.memory_space<semaphore_mem>>)
      %mul3A_159 = arith.constant 8 : i32
      %mul3A_160 = arith.muli %add3A, %mul3A_159 : i32
      %add3A_161 = arith.constant 0 : i32
      %add3A_162 = arith.addi %mul3A_160, %add3A_161 : i32
      %shift_right_arithmetic3A_163 = arith.constant 2 : i32
      %shift_right_arithmetic3A_164 = arith.shrsi %add3A_162, %shift_right_arithmetic3A_163 : i32
      %mul3A_165 = arith.constant 8 : i32
      %mul3A_166 = arith.muli %shift_right_arithmetic3A_164, %mul3A_165 : i32
      %add3A_167 = arith.constant 0 : i32
      %add3A_168 = arith.addi %mul3A_166, %add3A_167 : i32
      %and3A_169 = arith.constant 3 : i32
      %and3A_170 = arith.andi %add3A_162, %and3A_169 : i32
      %mul3A_171 = arith.constant 128 : i32
      %mul3A_172 = arith.muli %and3A_170, %mul3A_171 : i32
      %dma_wait3A_173 = arith.constant 0 : i32
      %dma_wait3A_174 = arith.constant 0 : i32
      %dma_wait3A_175 = arith.constant 0 : i32
      %dma_wait3A_176 = arith.constant 0 : i32
      %dma_wait3A_177 = arith.constant 0 : i32
      %dma_wait3A_178 = tpu.memref_slice %arg5[%dma_wait3A_174, %dma_wait3A_175, %dma_wait3A_176, %dma_wait3A_177] : memref<2x19x4x128xf32, #tpu.memory_space<vmem>> -> memref<1x19x4x128xf32, #tpu.memory_space<vmem>>
      %dma_wait3A_179 = tpu.memref_squeeze %dma_wait3A_178 : memref<1x19x4x128xf32, #tpu.memory_space<vmem>> -> memref<19x4x128xf32, #tpu.memory_space<vmem>>
      %dma_wait3A_180 = arith.constant 0 : i32
      %dma_wait3A_181 = tpu.memref_slice %arg2[%dma_wait3A_173, %dma_wait3A_180, %add3A_168, %mul3A_172] : memref<8x19x512x512xf32, #tpu.memory_space<hbm>> -> memref<1x19x4x128xf32, #tpu.memory_space<hbm>>
      %dma_wait3A_182 = tpu.memref_squeeze %dma_wait3A_181 : memref<1x19x4x128xf32, #tpu.memory_space<hbm>> -> memref<19x4x128xf32, #tpu.memory_space<hbm>>
      %dma_wait3A_183 = arith.constant 0 : i32
      %dma_wait3A_184 = arith.constant 0 : i32
      %dma_wait3A_185 = arith.constant 0 : i32
      %dma_wait3A_186 = tpu.memref_slice %arg5[%dma_wait3A_174, %dma_wait3A_183, %dma_wait3A_184, %dma_wait3A_185] : memref<2x19x4x128xf32, #tpu.memory_space<vmem>> -> memref<1x19x4x128xf32, #tpu.memory_space<vmem>>
      %dma_wait3A_187 = tpu.memref_squeeze %dma_wait3A_186 : memref<1x19x4x128xf32, #tpu.memory_space<vmem>> -> memref<19x4x128xf32, #tpu.memory_space<vmem>>
      %dma_wait3A_188 = arith.constant 0 : i32
      %dma_wait3A_189 = tpu.memref_slice %arg2[%dma_wait3A_173, %dma_wait3A_188, %add3A_168, %mul3A_172] : memref<8x19x512x512xf32, #tpu.memory_space<hbm>> -> memref<1x19x4x128xf32, #tpu.memory_space<hbm>>
      %dma_wait3A_190 = tpu.memref_squeeze %dma_wait3A_189 : memref<1x19x4x128xf32, #tpu.memory_space<hbm>> -> memref<19x4x128xf32, #tpu.memory_space<hbm>>
      tpu.wait_dma2 semaphore(%arg8 : memref<!tpu.dma_semaphore, #tpu.memory_space<semaphore_mem>>) src(%dma_wait3A_190 : memref<19x4x128xf32, #tpu.memory_space<hbm>>) dst(%dma_wait3A_187 : memref<19x4x128xf32, #tpu.memory_space<vmem>>)
      %dma_wait3A_191 = arith.constant 0 : i32
      %dma_wait3A_192 = arith.constant 0 : i32
      %dma_wait3A_193 = arith.constant 0 : i32
      %dma_wait3A_194 = arith.constant 0 : i32
      %dma_wait3A_195 = tpu.memref_slice %arg6[%dma_wait3A_192, %dma_wait3A_193, %dma_wait3A_194] : memref<2x4x128xi32, #tpu.memory_space<vmem>> -> memref<1x4x128xi32, #tpu.memory_space<vmem>>
      %dma_wait3A_196 = tpu.memref_squeeze %dma_wait3A_195 : memref<1x4x128xi32, #tpu.memory_space<vmem>> -> memref<4x128xi32, #tpu.memory_space<vmem>>
      %dma_wait3A_197 = tpu.memref_slice %arg3[%dma_wait3A_191, %add3A_168, %mul3A_172] : memref<8x512x512xi32, #tpu.memory_space<hbm>> -> memref<1x4x128xi32, #tpu.memory_space<hbm>>
      %dma_wait3A_198 = tpu.memref_squeeze %dma_wait3A_197 : memref<1x4x128xi32, #tpu.memory_space<hbm>> -> memref<4x128xi32, #tpu.memory_space<hbm>>
      %dma_wait3A_199 = arith.constant 0 : i32
      %dma_wait3A_200 = arith.constant 0 : i32
      %dma_wait3A_201 = tpu.memref_slice %arg6[%dma_wait3A_192, %dma_wait3A_199, %dma_wait3A_200] : memref<2x4x128xi32, #tpu.memory_space<vmem>> -> memref<1x4x128xi32, #tpu.memory_space<vmem>>
      %dma_wait3A_202 = tpu.memref_squeeze %dma_wait3A_201 : memref<1x4x128xi32, #tpu.memory_space<vmem>> -> memref<4x128xi32, #tpu.memory_space<vmem>>
      %dma_wait3A_203 = tpu.memref_slice %arg3[%dma_wait3A_191, %add3A_168, %mul3A_172] : memref<8x512x512xi32, #tpu.memory_space<hbm>> -> memref<1x4x128xi32, #tpu.memory_space<hbm>>
      %dma_wait3A_204 = tpu.memref_squeeze %dma_wait3A_203 : memref<1x4x128xi32, #tpu.memory_space<hbm>> -> memref<4x128xi32, #tpu.memory_space<hbm>>
      tpu.wait_dma2 semaphore(%arg8 : memref<!tpu.dma_semaphore, #tpu.memory_space<semaphore_mem>>) src(%dma_wait3A_204 : memref<4x128xi32, #tpu.memory_space<hbm>>) dst(%dma_wait3A_202 : memref<4x128xi32, #tpu.memory_space<vmem>>)
      %and3A_205 = arith.constant 15 : i32
      %and3A_206 = arith.andi %add3A_103, %and3A_205 : i32
      %eq3A = arith.constant 0 : i32
      %eq3A_207 = arith.cmpi eq, %and3A_206, %eq3A : i32
      %broadcast_in_dim3A_208 = arith.constant 0.000000e+00 : f32
      %broadcast_in_dim3A_209 = vector.broadcast %broadcast_in_dim3A_208 : f32 to vector<16xf32>
      %select_n3A = arith.select %eq3A_207, %broadcast_in_dim3A_209, %scan3A_98 : vector<16xf32>
      %broadcast_in_dim3A_210 = arith.constant 1.000000e+30 : f32
      %broadcast_in_dim3A_211 = vector.broadcast %broadcast_in_dim3A_210 : f32 to vector<16xf32>
      %select_n3A_212 = arith.select %eq3A_207, %broadcast_in_dim3A_211, %scan3A_99 : vector<16xf32>
      %parallel_loop3A = arith.constant 0 : i32
      %parallel_loop3A_213 = arith.constant 32 : i32
      %parallel_loop3A_214 = arith.constant 1 : i32
      %parallel_loop3A_215:2 = scf.for %parallel_loop3A_348 = %parallel_loop3A to %parallel_loop3A_213 step %parallel_loop3A_214 iter_args(%parallel_loop3A_349 = %select_n3A, %parallel_loop3A_350 = %select_n3A_212) -> (vector<16xf32>, vector<16xf32>)  : i32 {
        %parallel_loop3A_351 = arith.constant 3 : i32
        %parallel_loop3A_352 = arith.shrsi %parallel_loop3A_348, %parallel_loop3A_351 : i32
        %parallel_loop3A_353 = arith.constant 7 : i32
        %parallel_loop3A_354 = arith.andi %parallel_loop3A_348, %parallel_loop3A_353 : i32
        %parallel_loop3A_355 = arith.constant 16 : i32
        %parallel_loop3A_356 = arith.muli %parallel_loop3A_354, %parallel_loop3A_355 : i32
        %parallel_loop3A_357 = arith.constant 0 : i32
        %parallel_loop3A_358 = arith.constant 0 : i32
        %parallel_loop3A_359 = arith.index_cast %parallel_loop3A_357 : i32 to index
        %parallel_loop3A_360 = arith.index_cast %parallel_loop3A_358 : i32 to index
        %parallel_loop3A_361 = arith.index_cast %parallel_loop3A_352 : i32 to index
        %parallel_loop3A_362 = arith.index_cast %parallel_loop3A_356 : i32 to index
        %parallel_loop3A_363 = tpu.vector_load %arg5[%parallel_loop3A_359, %parallel_loop3A_360, %parallel_loop3A_361, %parallel_loop3A_362] {strides = array<i32>} : memref<2x19x4x128xf32, #tpu.memory_space<vmem>>, vector<16xf32>,
        %parallel_loop3A_364 = arith.constant 0 : i32
        %parallel_loop3A_365 = arith.constant 1 : i32
        %parallel_loop3A_366 = arith.index_cast %parallel_loop3A_364 : i32 to index
        %parallel_loop3A_367 = arith.index_cast %parallel_loop3A_365 : i32 to index
        %parallel_loop3A_368 = arith.index_cast %parallel_loop3A_352 : i32 to index
        %parallel_loop3A_369 = arith.index_cast %parallel_loop3A_356 : i32 to index
        %parallel_loop3A_370 = tpu.vector_load %arg5[%parallel_loop3A_366, %parallel_loop3A_367, %parallel_loop3A_368, %parallel_loop3A_369] {strides = array<i32>} : memref<2x19x4x128xf32, #tpu.memory_space<vmem>>, vector<16xf32>,
        %parallel_loop3A_371 = arith.constant 0 : i32
        %parallel_loop3A_372 = arith.constant 2 : i32
        %parallel_loop3A_373 = arith.index_cast %parallel_loop3A_371 : i32 to index
        %parallel_loop3A_374 = arith.index_cast %parallel_loop3A_372 : i32 to index
        %parallel_loop3A_375 = arith.index_cast %parallel_loop3A_352 : i32 to index
        %parallel_loop3A_376 = arith.index_cast %parallel_loop3A_356 : i32 to index
        %parallel_loop3A_377 = tpu.vector_load %arg5[%parallel_loop3A_373, %parallel_loop3A_374, %parallel_loop3A_375, %parallel_loop3A_376] {strides = array<i32>} : memref<2x19x4x128xf32, #tpu.memory_space<vmem>>, vector<16xf32>,
        %parallel_loop3A_378 = arith.constant 0 : i32
        %parallel_loop3A_379 = arith.constant 3 : i32
        %parallel_loop3A_380 = arith.index_cast %parallel_loop3A_378 : i32 to index
        %parallel_loop3A_381 = arith.index_cast %parallel_loop3A_379 : i32 to index
        %parallel_loop3A_382 = arith.index_cast %parallel_loop3A_352 : i32 to index
        %parallel_loop3A_383 = arith.index_cast %parallel_loop3A_356 : i32 to index
        %parallel_loop3A_384 = tpu.vector_load %arg5[%parallel_loop3A_380, %parallel_loop3A_381, %parallel_loop3A_382, %parallel_loop3A_383] {strides = array<i32>} : memref<2x19x4x128xf32, #tpu.memory_space<vmem>>, vector<16xf32>,
        %parallel_loop3A_385 = arith.constant 0 : i32
        %parallel_loop3A_386 = arith.constant 4 : i32
        %parallel_loop3A_387 = arith.index_cast %parallel_loop3A_385 : i32 to index
        %parallel_loop3A_388 = arith.index_cast %parallel_loop3A_386 : i32 to index
        %parallel_loop3A_389 = arith.index_cast %parallel_loop3A_352 : i32 to index
        %parallel_loop3A_390 = arith.index_cast %parallel_loop3A_356 : i32 to index
        %parallel_loop3A_391 = tpu.vector_load %arg5[%parallel_loop3A_387, %parallel_loop3A_388, %parallel_loop3A_389, %parallel_loop3A_390] {strides = array<i32>} : memref<2x19x4x128xf32, #tpu.memory_space<vmem>>, vector<16xf32>,
        %parallel_loop3A_392 = arith.constant 0 : i32
        %parallel_loop3A_393 = arith.constant 5 : i32
        %parallel_loop3A_394 = arith.index_cast %parallel_loop3A_392 : i32 to index
        %parallel_loop3A_395 = arith.index_cast %parallel_loop3A_393 : i32 to index
        %parallel_loop3A_396 = arith.index_cast %parallel_loop3A_352 : i32 to index
        %parallel_loop3A_397 = arith.index_cast %parallel_loop3A_356 : i32 to index
        %parallel_loop3A_398 = tpu.vector_load %arg5[%parallel_loop3A_394, %parallel_loop3A_395, %parallel_loop3A_396, %parallel_loop3A_397] {strides = array<i32>} : memref<2x19x4x128xf32, #tpu.memory_space<vmem>>, vector<16xf32>,
        %parallel_loop3A_399 = arith.constant 0 : i32
        %parallel_loop3A_400 = arith.constant 6 : i32
        %parallel_loop3A_401 = arith.index_cast %parallel_loop3A_399 : i32 to index
        %parallel_loop3A_402 = arith.index_cast %parallel_loop3A_400 : i32 to index
        %parallel_loop3A_403 = arith.index_cast %parallel_loop3A_352 : i32 to index
        %parallel_loop3A_404 = arith.index_cast %parallel_loop3A_356 : i32 to index
        %parallel_loop3A_405 = tpu.vector_load %arg5[%parallel_loop3A_401, %parallel_loop3A_402, %parallel_loop3A_403, %parallel_loop3A_404] {strides = array<i32>} : memref<2x19x4x128xf32, #tpu.memory_space<vmem>>, vector<16xf32>,
        %parallel_loop3A_406 = arith.constant 0 : i32
        %parallel_loop3A_407 = arith.constant 7 : i32
        %parallel_loop3A_408 = arith.index_cast %parallel_loop3A_406 : i32 to index
        %parallel_loop3A_409 = arith.index_cast %parallel_loop3A_407 : i32 to index
        %parallel_loop3A_410 = arith.index_cast %parallel_loop3A_352 : i32 to index
        %parallel_loop3A_411 = arith.index_cast %parallel_loop3A_356 : i32 to index
        %parallel_loop3A_412 = tpu.vector_load %arg5[%parallel_loop3A_408, %parallel_loop3A_409, %parallel_loop3A_410, %parallel_loop3A_411] {strides = array<i32>} : memref<2x19x4x128xf32, #tpu.memory_space<vmem>>, vector<16xf32>,
        %parallel_loop3A_413 = arith.constant 0 : i32
        %parallel_loop3A_414 = arith.constant 8 : i32
        %parallel_loop3A_415 = arith.index_cast %parallel_loop3A_413 : i32 to index
        %parallel_loop3A_416 = arith.index_cast %parallel_loop3A_414 : i32 to index
        %parallel_loop3A_417 = arith.index_cast %parallel_loop3A_352 : i32 to index
        %parallel_loop3A_418 = arith.index_cast %parallel_loop3A_356 : i32 to index
        %parallel_loop3A_419 = tpu.vector_load %arg5[%parallel_loop3A_415, %parallel_loop3A_416, %parallel_loop3A_417, %parallel_loop3A_418] {strides = array<i32>} : memref<2x19x4x128xf32, #tpu.memory_space<vmem>>, vector<16xf32>,
        %parallel_loop3A_420 = arith.constant 0 : i32
        %parallel_loop3A_421 = arith.constant 9 : i32
        %parallel_loop3A_422 = arith.index_cast %parallel_loop3A_420 : i32 to index
        %parallel_loop3A_423 = arith.index_cast %parallel_loop3A_421 : i32 to index
        %parallel_loop3A_424 = arith.index_cast %parallel_loop3A_352 : i32 to index
        %parallel_loop3A_425 = arith.index_cast %parallel_loop3A_356 : i32 to index
        %parallel_loop3A_426 = tpu.vector_load %arg5[%parallel_loop3A_422, %parallel_loop3A_423, %parallel_loop3A_424, %parallel_loop3A_425] {strides = array<i32>} : memref<2x19x4x128xf32, #tpu.memory_space<vmem>>, vector<16xf32>,
        %parallel_loop3A_427 = arith.constant 0 : i32
        %parallel_loop3A_428 = arith.constant 10 : i32
        %parallel_loop3A_429 = arith.index_cast %parallel_loop3A_427 : i32 to index
        %parallel_loop3A_430 = arith.index_cast %parallel_loop3A_428 : i32 to index
        %parallel_loop3A_431 = arith.index_cast %parallel_loop3A_352 : i32 to index
        %parallel_loop3A_432 = arith.index_cast %parallel_loop3A_356 : i32 to index
        %parallel_loop3A_433 = tpu.vector_load %arg5[%parallel_loop3A_429, %parallel_loop3A_430, %parallel_loop3A_431, %parallel_loop3A_432] {strides = array<i32>} : memref<2x19x4x128xf32, #tpu.memory_space<vmem>>, vector<16xf32>,
        %parallel_loop3A_434 = arith.constant 0 : i32
        %parallel_loop3A_435 = arith.constant 11 : i32
        %parallel_loop3A_436 = arith.index_cast %parallel_loop3A_434 : i32 to index
        %parallel_loop3A_437 = arith.index_cast %parallel_loop3A_435 : i32 to index
        %parallel_loop3A_438 = arith.index_cast %parallel_loop3A_352 : i32 to index
        %parallel_loop3A_439 = arith.index_cast %parallel_loop3A_356 : i32 to index
        %parallel_loop3A_440 = tpu.vector_load %arg5[%parallel_loop3A_436, %parallel_loop3A_437, %parallel_loop3A_438, %parallel_loop3A_439] {strides = array<i32>} : memref<2x19x4x128xf32, #tpu.memory_space<vmem>>, vector<16xf32>,
        %parallel_loop3A_441 = arith.constant 0 : i32
        %parallel_loop3A_442 = arith.constant 12 : i32
        %parallel_loop3A_443 = arith.index_cast %parallel_loop3A_441 : i32 to index
        %parallel_loop3A_444 = arith.index_cast %parallel_loop3A_442 : i32 to index
        %parallel_loop3A_445 = arith.index_cast %parallel_loop3A_352 : i32 to index
        %parallel_loop3A_446 = arith.index_cast %parallel_loop3A_356 : i32 to index
        %parallel_loop3A_447 = tpu.vector_load %arg5[%parallel_loop3A_443, %parallel_loop3A_444, %parallel_loop3A_445, %parallel_loop3A_446] {strides = array<i32>} : memref<2x19x4x128xf32, #tpu.memory_space<vmem>>, vector<16xf32>,
        %parallel_loop3A_448 = arith.constant 0 : i32
        %parallel_loop3A_449 = arith.constant 13 : i32
        %parallel_loop3A_450 = arith.index_cast %parallel_loop3A_448 : i32 to index
        %parallel_loop3A_451 = arith.index_cast %parallel_loop3A_449 : i32 to index
        %parallel_loop3A_452 = arith.index_cast %parallel_loop3A_352 : i32 to index
        %parallel_loop3A_453 = arith.index_cast %parallel_loop3A_356 : i32 to index
        %parallel_loop3A_454 = tpu.vector_load %arg5[%parallel_loop3A_450, %parallel_loop3A_451, %parallel_loop3A_452, %parallel_loop3A_453] {strides = array<i32>} : memref<2x19x4x128xf32, #tpu.memory_space<vmem>>, vector<16xf32>,
        %parallel_loop3A_455 = arith.constant 0 : i32
        %parallel_loop3A_456 = arith.constant 14 : i32
        %parallel_loop3A_457 = arith.index_cast %parallel_loop3A_455 : i32 to index
        %parallel_loop3A_458 = arith.index_cast %parallel_loop3A_456 : i32 to index
        %parallel_loop3A_459 = arith.index_cast %parallel_loop3A_352 : i32 to index
        %parallel_loop3A_460 = arith.index_cast %parallel_loop3A_356 : i32 to index
        %parallel_loop3A_461 = tpu.vector_load %arg5[%parallel_loop3A_457, %parallel_loop3A_458, %parallel_loop3A_459, %parallel_loop3A_460] {strides = array<i32>} : memref<2x19x4x128xf32, #tpu.memory_space<vmem>>, vector<16xf32>,
        %parallel_loop3A_462 = arith.constant 0 : i32
        %parallel_loop3A_463 = arith.constant 15 : i32
        %parallel_loop3A_464 = arith.index_cast %parallel_loop3A_462 : i32 to index
        %parallel_loop3A_465 = arith.index_cast %parallel_loop3A_463 : i32 to index
        %parallel_loop3A_466 = arith.index_cast %parallel_loop3A_352 : i32 to index
        %parallel_loop3A_467 = arith.index_cast %parallel_loop3A_356 : i32 to index
        %parallel_loop3A_468 = tpu.vector_load %arg5[%parallel_loop3A_464, %parallel_loop3A_465, %parallel_loop3A_466, %parallel_loop3A_467] {strides = array<i32>} : memref<2x19x4x128xf32, #tpu.memory_space<vmem>>, vector<16xf32>,
        %parallel_loop3A_469 = arith.constant 0 : i32
        %parallel_loop3A_470 = arith.constant 16 : i32
        %parallel_loop3A_471 = arith.index_cast %parallel_loop3A_469 : i32 to index
        %parallel_loop3A_472 = arith.index_cast %parallel_loop3A_470 : i32 to index
        %parallel_loop3A_473 = arith.index_cast %parallel_loop3A_352 : i32 to index
        %parallel_loop3A_474 = arith.index_cast %parallel_loop3A_356 : i32 to index
        %parallel_loop3A_475 = tpu.vector_load %arg5[%parallel_loop3A_471, %parallel_loop3A_472, %parallel_loop3A_473, %parallel_loop3A_474] {strides = array<i32>} : memref<2x19x4x128xf32, #tpu.memory_space<vmem>>, vector<16xf32>,
        %parallel_loop3A_476 = arith.constant 0 : i32
        %parallel_loop3A_477 = arith.constant 17 : i32
        %parallel_loop3A_478 = arith.index_cast %parallel_loop3A_476 : i32 to index
        %parallel_loop3A_479 = arith.index_cast %parallel_loop3A_477 : i32 to index
        %parallel_loop3A_480 = arith.index_cast %parallel_loop3A_352 : i32 to index
        %parallel_loop3A_481 = arith.index_cast %parallel_loop3A_356 : i32 to index
        %parallel_loop3A_482 = tpu.vector_load %arg5[%parallel_loop3A_478, %parallel_loop3A_479, %parallel_loop3A_480, %parallel_loop3A_481] {strides = array<i32>} : memref<2x19x4x128xf32, #tpu.memory_space<vmem>>, vector<16xf32>,
        %parallel_loop3A_483 = arith.constant 0 : i32
        %parallel_loop3A_484 = arith.constant 18 : i32
        %parallel_loop3A_485 = arith.index_cast %parallel_loop3A_483 : i32 to index
        %parallel_loop3A_486 = arith.index_cast %parallel_loop3A_484 : i32 to index
        %parallel_loop3A_487 = arith.index_cast %parallel_loop3A_352 : i32 to index
        %parallel_loop3A_488 = arith.index_cast %parallel_loop3A_356 : i32 to index
        %parallel_loop3A_489 = tpu.vector_load %arg5[%parallel_loop3A_485, %parallel_loop3A_486, %parallel_loop3A_487, %parallel_loop3A_488] {strides = array<i32>} : memref<2x19x4x128xf32, #tpu.memory_space<vmem>>, vector<16xf32>,
        %parallel_loop3A_490 = math.exp %parallel_loop3A_363 : vector<16xf32>
        %parallel_loop3A_491 = math.exp %parallel_loop3A_370 : vector<16xf32>
        %parallel_loop3A_492 = arith.addf %parallel_loop3A_490, %parallel_loop3A_491 : vector<16xf32>
        %parallel_loop3A_493 = math.exp %parallel_loop3A_377 : vector<16xf32>
        %parallel_loop3A_494 = arith.addf %parallel_loop3A_492, %parallel_loop3A_493 : vector<16xf32>
        %parallel_loop3A_495 = math.exp %parallel_loop3A_384 : vector<16xf32>
        %parallel_loop3A_496 = arith.addf %parallel_loop3A_494, %parallel_loop3A_495 : vector<16xf32>
        %parallel_loop3A_497 = math.exp %parallel_loop3A_391 : vector<16xf32>
        %parallel_loop3A_498 = arith.addf %parallel_loop3A_496, %parallel_loop3A_497 : vector<16xf32>
        %parallel_loop3A_499 = math.exp %parallel_loop3A_398 : vector<16xf32>
        %parallel_loop3A_500 = arith.addf %parallel_loop3A_498, %parallel_loop3A_499 : vector<16xf32>
        %parallel_loop3A_501 = math.exp %parallel_loop3A_405 : vector<16xf32>
        %parallel_loop3A_502 = arith.addf %parallel_loop3A_500, %parallel_loop3A_501 : vector<16xf32>
        %parallel_loop3A_503 = math.exp %parallel_loop3A_412 : vector<16xf32>
        %parallel_loop3A_504 = arith.addf %parallel_loop3A_502, %parallel_loop3A_503 : vector<16xf32>
        %parallel_loop3A_505 = math.exp %parallel_loop3A_419 : vector<16xf32>
        %parallel_loop3A_506 = arith.addf %parallel_loop3A_504, %parallel_loop3A_505 : vector<16xf32>
        %parallel_loop3A_507 = math.exp %parallel_loop3A_426 : vector<16xf32>
        %parallel_loop3A_508 = arith.addf %parallel_loop3A_506, %parallel_loop3A_507 : vector<16xf32>
        %parallel_loop3A_509 = math.exp %parallel_loop3A_433 : vector<16xf32>
        %parallel_loop3A_510 = arith.addf %parallel_loop3A_508, %parallel_loop3A_509 : vector<16xf32>
        %parallel_loop3A_511 = math.exp %parallel_loop3A_440 : vector<16xf32>
        %parallel_loop3A_512 = arith.addf %parallel_loop3A_510, %parallel_loop3A_511 : vector<16xf32>
        %parallel_loop3A_513 = math.exp %parallel_loop3A_447 : vector<16xf32>
        %parallel_loop3A_514 = arith.addf %parallel_loop3A_512, %parallel_loop3A_513 : vector<16xf32>
        %parallel_loop3A_515 = math.exp %parallel_loop3A_454 : vector<16xf32>
        %parallel_loop3A_516 = arith.addf %parallel_loop3A_514, %parallel_loop3A_515 : vector<16xf32>
        %parallel_loop3A_517 = math.exp %parallel_loop3A_461 : vector<16xf32>
        %parallel_loop3A_518 = arith.addf %parallel_loop3A_516, %parallel_loop3A_517 : vector<16xf32>
        %parallel_loop3A_519 = math.exp %parallel_loop3A_468 : vector<16xf32>
        %parallel_loop3A_520 = arith.addf %parallel_loop3A_518, %parallel_loop3A_519 : vector<16xf32>
        %parallel_loop3A_521 = math.exp %parallel_loop3A_475 : vector<16xf32>
        %parallel_loop3A_522 = arith.addf %parallel_loop3A_520, %parallel_loop3A_521 : vector<16xf32>
        %parallel_loop3A_523 = math.exp %parallel_loop3A_482 : vector<16xf32>
        %parallel_loop3A_524 = arith.addf %parallel_loop3A_522, %parallel_loop3A_523 : vector<16xf32>
        %parallel_loop3A_525 = math.exp %parallel_loop3A_489 : vector<16xf32>
        %parallel_loop3A_526 = arith.addf %parallel_loop3A_524, %parallel_loop3A_525 : vector<16xf32>
        %parallel_loop3A_527 = tpu.bitcast %parallel_loop3A_526 : vector<16xf32> -> vector<16xi32>
        %parallel_loop3A_528 = arith.constant 23 : i32
        %parallel_loop3A_529 = vector.broadcast %parallel_loop3A_528 : i32 to vector<16xi32>
        %parallel_loop3A_530 = arith.shrsi %parallel_loop3A_527, %parallel_loop3A_529 : vector<16xi32>
        %parallel_loop3A_531 = arith.constant 127 : i32
        %parallel_loop3A_532 = vector.broadcast %parallel_loop3A_531 : i32 to vector<16xi32>
        %parallel_loop3A_533 = arith.subi %parallel_loop3A_530, %parallel_loop3A_532 : vector<16xi32>
        %parallel_loop3A_534 = arith.constant 8388607 : i32
        %parallel_loop3A_535 = vector.broadcast %parallel_loop3A_534 : i32 to vector<16xi32>
        %parallel_loop3A_536 = arith.andi %parallel_loop3A_527, %parallel_loop3A_535 : vector<16xi32>
        %parallel_loop3A_537 = arith.constant 1065353216 : i32
        %parallel_loop3A_538 = vector.broadcast %parallel_loop3A_537 : i32 to vector<16xi32>
        %parallel_loop3A_539 = arith.ori %parallel_loop3A_536, %parallel_loop3A_538 : vector<16xi32>
        %parallel_loop3A_540 = tpu.bitcast %parallel_loop3A_539 : vector<16xi32> -> vector<16xf32>
        %parallel_loop3A_541 = arith.constant 1.000000e+00 : f32
        %parallel_loop3A_542 = vector.broadcast %parallel_loop3A_541 : f32 to vector<16xf32>
        %parallel_loop3A_543 = arith.subf %parallel_loop3A_540, %parallel_loop3A_542 : vector<16xf32>
        %parallel_loop3A_544 = arith.constant 1.000000e+00 : f32
        %parallel_loop3A_545 = vector.broadcast %parallel_loop3A_544 : f32 to vector<16xf32>
        %parallel_loop3A_546 = arith.addf %parallel_loop3A_540, %parallel_loop3A_545 : vector<16xf32>
        %parallel_loop3A_547 = arith.divf %parallel_loop3A_543, %parallel_loop3A_546 : vector<16xf32>
        %parallel_loop3A_548 = arith.mulf %parallel_loop3A_547, %parallel_loop3A_547 : vector<16xf32>
        %parallel_loop3A_549 = arith.constant 0.111111112 : f32
        %parallel_loop3A_550 = vector.broadcast %parallel_loop3A_549 : f32 to vector<16xf32>
        %parallel_loop3A_551 = arith.mulf %parallel_loop3A_548, %parallel_loop3A_550 : vector<16xf32>
        %parallel_loop3A_552 = arith.constant 0.142857149 : f32
        %parallel_loop3A_553 = vector.broadcast %parallel_loop3A_552 : f32 to vector<16xf32>
        %parallel_loop3A_554 = arith.addf %parallel_loop3A_551, %parallel_loop3A_553 : vector<16xf32>
        %parallel_loop3A_555 = arith.mulf %parallel_loop3A_554, %parallel_loop3A_548 : vector<16xf32>
        %parallel_loop3A_556 = arith.constant 2.000000e-01 : f32
        %parallel_loop3A_557 = vector.broadcast %parallel_loop3A_556 : f32 to vector<16xf32>
        %parallel_loop3A_558 = arith.addf %parallel_loop3A_555, %parallel_loop3A_557 : vector<16xf32>
        %parallel_loop3A_559 = arith.mulf %parallel_loop3A_558, %parallel_loop3A_548 : vector<16xf32>
        %parallel_loop3A_560 = arith.constant 0.333333343 : f32
        %parallel_loop3A_561 = vector.broadcast %parallel_loop3A_560 : f32 to vector<16xf32>
        %parallel_loop3A_562 = arith.addf %parallel_loop3A_559, %parallel_loop3A_561 : vector<16xf32>
        %parallel_loop3A_563 = arith.mulf %parallel_loop3A_562, %parallel_loop3A_548 : vector<16xf32>
        %parallel_loop3A_564 = arith.constant 1.000000e+00 : f32
        %parallel_loop3A_565 = vector.broadcast %parallel_loop3A_564 : f32 to vector<16xf32>
        %parallel_loop3A_566 = arith.addf %parallel_loop3A_563, %parallel_loop3A_565 : vector<16xf32>
        %parallel_loop3A_567 = arith.sitofp %parallel_loop3A_533 : vector<16xi32> to vector<16xf32>
        %parallel_loop3A_568 = arith.constant 0.693147182 : f32
        %parallel_loop3A_569 = vector.broadcast %parallel_loop3A_568 : f32 to vector<16xf32>
        %parallel_loop3A_570 = arith.mulf %parallel_loop3A_567, %parallel_loop3A_569 : vector<16xf32>
        %parallel_loop3A_571 = arith.constant 2.000000e+00 : f32
        %parallel_loop3A_572 = vector.broadcast %parallel_loop3A_571 : f32 to vector<16xf32>
        %parallel_loop3A_573 = arith.mulf %parallel_loop3A_572, %parallel_loop3A_547 : vector<16xf32>
        %parallel_loop3A_574 = arith.mulf %parallel_loop3A_573, %parallel_loop3A_566 : vector<16xf32>
        %parallel_loop3A_575 = arith.addf %parallel_loop3A_570, %parallel_loop3A_574 : vector<16xf32>
        %parallel_loop3A_576 = arith.constant 0 : i32
        %parallel_loop3A_577 = arith.index_cast %parallel_loop3A_576 : i32 to index
        %parallel_loop3A_578 = arith.index_cast %parallel_loop3A_352 : i32 to index
        %parallel_loop3A_579 = arith.index_cast %parallel_loop3A_356 : i32 to index
        %parallel_loop3A_580 = tpu.vector_load %arg6[%parallel_loop3A_577, %parallel_loop3A_578, %parallel_loop3A_579] {strides = array<i32>} : memref<2x4x128xi32, #tpu.memory_space<vmem>>, vector<16xi32>,
        %parallel_loop3A_581 = arith.constant 0 : i32
        %parallel_loop3A_582 = vector.broadcast %parallel_loop3A_581 : i32 to vector<16xi32>
        %parallel_loop3A_583 = vector.broadcast %parallel_loop3A_352 : i32 to vector<16xi32>
        %parallel_loop3A_584 = arith.addi %parallel_loop3A_582, %parallel_loop3A_583 : vector<16xi32>
        %parallel_loop3A_585 = tpu.iota {dimensions = array<i32: 0>} : vector<16xi32>
        %parallel_loop3A_586 = vector.broadcast %parallel_loop3A_356 : i32 to vector<16xi32>
        %parallel_loop3A_587 = arith.addi %parallel_loop3A_586, %parallel_loop3A_585 : vector<16xi32>
        %parallel_loop3A_588 = arith.constant 0 : i32
        %parallel_loop3A_589 = arith.constant 0 : i32
        %parallel_loop3A_590 = arith.constant 0 : i32
        %parallel_loop3A_591 = arith.constant 0 : i32
        %parallel_loop3A_592 = tpu.memref_slice %arg5[%parallel_loop3A_588, %parallel_loop3A_589, %parallel_loop3A_590, %parallel_loop3A_591] : memref<2x19x4x128xf32, #tpu.memory_space<vmem>> -> memref<1x19x4x128xf32, #tpu.memory_space<vmem>>
        %parallel_loop3A_593 = tpu.memref_squeeze %parallel_loop3A_592 : memref<1x19x4x128xf32, #tpu.memory_space<vmem>> -> memref<19x4x128xf32, #tpu.memory_space<vmem>>
        %parallel_loop3A_594 = tpu.vector_load_idx %parallel_loop3A_593[%parallel_loop3A_580, %parallel_loop3A_584, %parallel_loop3A_587] : memref<19x4x128xf32, #tpu.memory_space<vmem>>[vector<16xi32>, vector<16xi32>, vector<16xi32>], vector<16xf32>,
        %parallel_loop3A_595 = arith.subf %parallel_loop3A_575, %parallel_loop3A_594 : vector<16xf32>
        %parallel_loop3A_596 = arith.addf %parallel_loop3A_349, %parallel_loop3A_595 : vector<16xf32>
        %parallel_loop3A_597 = arith.minimumf %parallel_loop3A_350, %parallel_loop3A_595 : vector<16xf32>
        scf.yield %parallel_loop3A_596, %parallel_loop3A_597 : vector<16xf32>, vector<16xf32>
      } {sc.loop_unroll_factor = 2 : i64, sc.parallel_access}
      %and3A_216 = arith.constant 15 : i32
      %and3A_217 = arith.andi %add3A_103, %and3A_216 : i32
      %eq3A_218 = arith.constant 15 : i32
      %eq3A_219 = arith.cmpi eq, %and3A_217, %eq3A_218 : i32
      %convert_element_type3A = arith.extui %eq3A_219 : i1 to i32
      %cond3A = arith.constant 0 : i32
      %cond3A_220 = arith.cmpi ne, %convert_element_type3A, %cond3A : i32
      scf.if %cond3A_220 {
        %shift_right_arithmetic3A_348 = arith.constant 4 : i32
        %shift_right_arithmetic3A_349 = arith.shrsi %add3A_103, %shift_right_arithmetic3A_348 : i32
        %swap3A = arith.constant 0 : i32
        %swap3A_350 = arith.index_cast %shift_right_arithmetic3A_349 : i32 to index
        %swap3A_351 = arith.index_cast %swap3A : i32 to index
        %swap3A_352 = arith.constant 0 : index
        %swap3A_353 = tpu.vector_load %arg7[%swap3A_350, %swap3A_351, %swap3A_352] {strides = array<i32>} : memref<3x2x16xf32, #tpu.memory_space<vmem>>, vector<16xf32>,
        tpu.vector_store %arg7[%swap3A_350, %swap3A_351, %swap3A_352], %parallel_loop3A_215#0 {strides = array<i32>} : memref<3x2x16xf32, #tpu.memory_space<vmem>>, vector<16xf32>,
        %swap3A_354 = arith.constant 1 : i32
        %swap3A_355 = arith.index_cast %shift_right_arithmetic3A_349 : i32 to index
        %swap3A_356 = arith.index_cast %swap3A_354 : i32 to index
        %swap3A_357 = arith.constant 0 : index
        %swap3A_358 = tpu.vector_load %arg7[%swap3A_355, %swap3A_356, %swap3A_357] {strides = array<i32>} : memref<3x2x16xf32, #tpu.memory_space<vmem>>, vector<16xf32>,
        tpu.vector_store %arg7[%swap3A_355, %swap3A_356, %swap3A_357], %parallel_loop3A_215#1 {strides = array<i32>} : memref<3x2x16xf32, #tpu.memory_space<vmem>>, vector<16xf32>,
      } else {
      }
      %mul3A_221 = arith.constant 2 : i32
      %mul3A_222 = arith.muli %scan3A_97, %mul3A_221 : i32
      %add3A_223 = arith.constant 1 : i32
      %add3A_224 = arith.addi %mul3A_222, %add3A_223 : i32
      %add3A_225 = arith.constant 1 : i32
      %add3A_226 = arith.addi %add3A_224, %add3A_225 : i32
      %min3A_227 = arith.constant 47 : i32
      %min3A_228 = arith.minsi %add3A_226, %min3A_227 : i32
      %shift_right_arithmetic3A_229 = arith.constant 4 : i32
      %shift_right_arithmetic3A_230 = arith.shrsi %min3A_228, %shift_right_arithmetic3A_229 : i32
      %shift_right_arithmetic3A_231 = arith.constant 1 : i32
      %shift_right_arithmetic3A_232 = arith.shrsi %min3A_228, %shift_right_arithmetic3A_231 : i32
      %and3A_233 = arith.constant 7 : i32
      %and3A_234 = arith.andi %shift_right_arithmetic3A_232, %and3A_233 : i32
      %and3A_235 = arith.constant 1 : i32
      %and3A_236 = arith.andi %min3A_228, %and3A_235 : i32
      %mul3A_237 = arith.constant 8 : i32
      %mul3A_238 = arith.muli %add3A, %mul3A_237 : i32
      %add3A_239 = arith.addi %mul3A_238, %and3A_234 : i32
      %shift_right_arithmetic3A_240 = arith.constant 2 : i32
      %shift_right_arithmetic3A_241 = arith.shrsi %add3A_239, %shift_right_arithmetic3A_240 : i32
      %mul3A_242 = arith.constant 8 : i32
      %mul3A_243 = arith.muli %shift_right_arithmetic3A_241, %mul3A_242 : i32
      %mul3A_244 = arith.constant 4 : i32
      %mul3A_245 = arith.muli %and3A_236, %mul3A_244 : i32
      %add3A_246 = arith.addi %mul3A_243, %mul3A_245 : i32
      %and3A_247 = arith.constant 3 : i32
      %and3A_248 = arith.andi %add3A_239, %and3A_247 : i32
      %mul3A_249 = arith.constant 128 : i32
      %mul3A_250 = arith.muli %and3A_248, %mul3A_249 : i32
      %dma_start3A_251 = arith.constant 0 : i32
      %dma_start3A_252 = arith.constant 0 : i32
      %dma_start3A_253 = arith.constant 0 : i32
      %dma_start3A_254 = arith.constant 0 : i32
      %dma_start3A_255 = tpu.memref_slice %arg5[%dma_start3A_251, %dma_start3A_252, %dma_start3A_253, %dma_start3A_254] : memref<2x19x4x128xf32, #tpu.memory_space<vmem>> -> memref<1x19x4x128xf32, #tpu.memory_space<vmem>>
      %dma_start3A_256 = tpu.memref_squeeze %dma_start3A_255 : memref<1x19x4x128xf32, #tpu.memory_space<vmem>> -> memref<19x4x128xf32, #tpu.memory_space<vmem>>
      %dma_start3A_257 = arith.constant 0 : i32
      %dma_start3A_258 = tpu.memref_slice %arg2[%shift_right_arithmetic3A_230, %dma_start3A_257, %add3A_246, %mul3A_250] : memref<8x19x512x512xf32, #tpu.memory_space<hbm>> -> memref<1x19x4x128xf32, #tpu.memory_space<hbm>>
      %dma_start3A_259 = tpu.memref_squeeze %dma_start3A_258 : memref<1x19x4x128xf32, #tpu.memory_space<hbm>> -> memref<19x4x128xf32, #tpu.memory_space<hbm>>
      %dma_start3A_260 = arith.constant 0 : i32
      %dma_start3A_261 = arith.constant 0 : i32
      %dma_start3A_262 = arith.constant 0 : i32
      %dma_start3A_263 = tpu.memref_slice %arg5[%dma_start3A_251, %dma_start3A_260, %dma_start3A_261, %dma_start3A_262] : memref<2x19x4x128xf32, #tpu.memory_space<vmem>> -> memref<1x19x4x128xf32, #tpu.memory_space<vmem>>
      %dma_start3A_264 = tpu.memref_squeeze %dma_start3A_263 : memref<1x19x4x128xf32, #tpu.memory_space<vmem>> -> memref<19x4x128xf32, #tpu.memory_space<vmem>>
      %dma_start3A_265 = arith.constant 0 : i32
      %dma_start3A_266 = tpu.memref_slice %arg2[%shift_right_arithmetic3A_230, %dma_start3A_265, %add3A_246, %mul3A_250] : memref<8x19x512x512xf32, #tpu.memory_space<hbm>> -> memref<1x19x4x128xf32, #tpu.memory_space<hbm>>
      %dma_start3A_267 = tpu.memref_squeeze %dma_start3A_266 : memref<1x19x4x128xf32, #tpu.memory_space<hbm>> -> memref<19x4x128xf32, #tpu.memory_space<hbm>>
      tpu.enqueue_dma source(%dma_start3A_267 : memref<19x4x128xf32, #tpu.memory_space<hbm>>) target(%dma_start3A_264 : memref<19x4x128xf32, #tpu.memory_space<vmem>>) target_semaphore(%arg8 : memref<!tpu.dma_semaphore, #tpu.memory_space<semaphore_mem>>)
      %dma_start3A_268 = arith.constant 0 : i32
      %dma_start3A_269 = arith.constant 0 : i32
      %dma_start3A_270 = arith.constant 0 : i32
      %dma_start3A_271 = tpu.memref_slice %arg6[%dma_start3A_268, %dma_start3A_269, %dma_start3A_270] : memref<2x4x128xi32, #tpu.memory_space<vmem>> -> memref<1x4x128xi32, #tpu.memory_space<vmem>>
      %dma_start3A_272 = tpu.memref_squeeze %dma_start3A_271 : memref<1x4x128xi32, #tpu.memory_space<vmem>> -> memref<4x128xi32, #tpu.memory_space<vmem>>
      %dma_start3A_273 = tpu.memref_slice %arg3[%shift_right_arithmetic3A_230, %add3A_246, %mul3A_250] : memref<8x512x512xi32, #tpu.memory_space<hbm>> -> memref<1x4x128xi32, #tpu.memory_space<hbm>>
      %dma_start3A_274 = tpu.memref_squeeze %dma_start3A_273 : memref<1x4x128xi32, #tpu.memory_space<hbm>> -> memref<4x128xi32, #tpu.memory_space<hbm>>
      %dma_start3A_275 = arith.constant 0 : i32
      %dma_start3A_276 = arith.constant 0 : i32
      %dma_start3A_277 = tpu.memref_slice %arg6[%dma_start3A_268, %dma_start3A_275, %dma_start3A_276] : memref<2x4x128xi32, #tpu.memory_space<vmem>> -> memref<1x4x128xi32, #tpu.memory_space<vmem>>
      %dma_start3A_278 = tpu.memref_squeeze %dma_start3A_277 : memref<1x4x128xi32, #tpu.memory_space<vmem>> -> memref<4x128xi32, #tpu.memory_space<vmem>>
      %dma_start3A_279 = tpu.memref_slice %arg3[%shift_right_arithmetic3A_230, %add3A_246, %mul3A_250] : memref<8x512x512xi32, #tpu.memory_space<hbm>> -> memref<1x4x128xi32, #tpu.memory_space<hbm>>
      %dma_start3A_280 = tpu.memref_squeeze %dma_start3A_279 : memref<1x4x128xi32, #tpu.memory_space<hbm>> -> memref<4x128xi32, #tpu.memory_space<hbm>>
      tpu.enqueue_dma source(%dma_start3A_280 : memref<4x128xi32, #tpu.memory_space<hbm>>) target(%dma_start3A_278 : memref<4x128xi32, #tpu.memory_space<vmem>>) target_semaphore(%arg8 : memref<!tpu.dma_semaphore, #tpu.memory_space<semaphore_mem>>)
      %mul3A_281 = arith.constant 8 : i32
      %mul3A_282 = arith.muli %add3A, %mul3A_281 : i32
      %add3A_283 = arith.constant 0 : i32
      %add3A_284 = arith.addi %mul3A_282, %add3A_283 : i32
      %shift_right_arithmetic3A_285 = arith.constant 2 : i32
      %shift_right_arithmetic3A_286 = arith.shrsi %add3A_284, %shift_right_arithmetic3A_285 : i32
      %mul3A_287 = arith.constant 8 : i32
      %mul3A_288 = arith.muli %shift_right_arithmetic3A_286, %mul3A_287 : i32
      %add3A_289 = arith.constant 0 : i32
      %add3A_290 = arith.addi %mul3A_288, %add3A_289 : i32
      %and3A_291 = arith.constant 3 : i32
      %and3A_292 = arith.andi %add3A_284, %and3A_291 : i32
      %mul3A_293 = arith.constant 128 : i32
      %mul3A_294 = arith.muli %and3A_292, %mul3A_293 : i32
      %dma_wait3A_295 = arith.constant 0 : i32
      %dma_wait3A_296 = arith.constant 1 : i32
      %dma_wait3A_297 = arith.constant 0 : i32
      %dma_wait3A_298 = arith.constant 0 : i32
      %dma_wait3A_299 = arith.constant 0 : i32
      %dma_wait3A_300 = tpu.memref_slice %arg5[%dma_wait3A_296, %dma_wait3A_297, %dma_wait3A_298, %dma_wait3A_299] : memref<2x19x4x128xf32, #tpu.memory_space<vmem>> -> memref<1x19x4x128xf32, #tpu.memory_space<vmem>>
      %dma_wait3A_301 = tpu.memref_squeeze %dma_wait3A_300 : memref<1x19x4x128xf32, #tpu.memory_space<vmem>> -> memref<19x4x128xf32, #tpu.memory_space<vmem>>
      %dma_wait3A_302 = arith.constant 0 : i32
      %dma_wait3A_303 = tpu.memref_slice %arg2[%dma_wait3A_295, %dma_wait3A_302, %add3A_290, %mul3A_294] : memref<8x19x512x512xf32, #tpu.memory_space<hbm>> -> memref<1x19x4x128xf32, #tpu.memory_space<hbm>>
      %dma_wait3A_304 = tpu.memref_squeeze %dma_wait3A_303 : memref<1x19x4x128xf32, #tpu.memory_space<hbm>> -> memref<19x4x128xf32, #tpu.memory_space<hbm>>
      %dma_wait3A_305 = arith.constant 0 : i32
      %dma_wait3A_306 = arith.constant 0 : i32
      %dma_wait3A_307 = arith.constant 0 : i32
      %dma_wait3A_308 = tpu.memref_slice %arg5[%dma_wait3A_296, %dma_wait3A_305, %dma_wait3A_306, %dma_wait3A_307] : memref<2x19x4x128xf32, #tpu.memory_space<vmem>> -> memref<1x19x4x128xf32, #tpu.memory_space<vmem>>
      %dma_wait3A_309 = tpu.memref_squeeze %dma_wait3A_308 : memref<1x19x4x128xf32, #tpu.memory_space<vmem>> -> memref<19x4x128xf32, #tpu.memory_space<vmem>>
      %dma_wait3A_310 = arith.constant 0 : i32
      %dma_wait3A_311 = tpu.memref_slice %arg2[%dma_wait3A_295, %dma_wait3A_310, %add3A_290, %mul3A_294] : memref<8x19x512x512xf32, #tpu.memory_space<hbm>> -> memref<1x19x4x128xf32, #tpu.memory_space<hbm>>
      %dma_wait3A_312 = tpu.memref_squeeze %dma_wait3A_311 : memref<1x19x4x128xf32, #tpu.memory_space<hbm>> -> memref<19x4x128xf32, #tpu.memory_space<hbm>>
      tpu.wait_dma2 semaphore(%arg9 : memref<!tpu.dma_semaphore, #tpu.memory_space<semaphore_mem>>) src(%dma_wait3A_312 : memref<19x4x128xf32, #tpu.memory_space<hbm>>) dst(%dma_wait3A_309 : memref<19x4x128xf32, #tpu.memory_space<vmem>>)
      %dma_wait3A_313 = arith.constant 0 : i32
      %dma_wait3A_314 = arith.constant 1 : i32
      %dma_wait3A_315 = arith.constant 0 : i32
      %dma_wait3A_316 = arith.constant 0 : i32
      %dma_wait3A_317 = tpu.memref_slice %arg6[%dma_wait3A_314, %dma_wait3A_315, %dma_wait3A_316] : memref<2x4x128xi32, #tpu.memory_space<vmem>> -> memref<1x4x128xi32, #tpu.memory_space<vmem>>
      %dma_wait3A_318 = tpu.memref_squeeze %dma_wait3A_317 : memref<1x4x128xi32, #tpu.memory_space<vmem>> -> memref<4x128xi32, #tpu.memory_space<vmem>>
      %dma_wait3A_319 = tpu.memref_slice %arg3[%dma_wait3A_313, %add3A_290, %mul3A_294] : memref<8x512x512xi32, #tpu.memory_space<hbm>> -> memref<1x4x128xi32, #tpu.memory_space<hbm>>
      %dma_wait3A_320 = tpu.memref_squeeze %dma_wait3A_319 : memref<1x4x128xi32, #tpu.memory_space<hbm>> -> memref<4x128xi32, #tpu.memory_space<hbm>>
      %dma_wait3A_321 = arith.constant 0 : i32
      %dma_wait3A_322 = arith.constant 0 : i32
      %dma_wait3A_323 = tpu.memref_slice %arg6[%dma_wait3A_314, %dma_wait3A_321, %dma_wait3A_322] : memref<2x4x128xi32, #tpu.memory_space<vmem>> -> memref<1x4x128xi32, #tpu.memory_space<vmem>>
      %dma_wait3A_324 = tpu.memref_squeeze %dma_wait3A_323 : memref<1x4x128xi32, #tpu.memory_space<vmem>> -> memref<4x128xi32, #tpu.memory_space<vmem>>
      %dma_wait3A_325 = tpu.memref_slice %arg3[%dma_wait3A_313, %add3A_290, %mul3A_294] : memref<8x512x512xi32, #tpu.memory_space<hbm>> -> memref<1x4x128xi32, #tpu.memory_space<hbm>>
      %dma_wait3A_326 = tpu.memref_squeeze %dma_wait3A_325 : memref<1x4x128xi32, #tpu.memory_space<hbm>> -> memref<4x128xi32, #tpu.memory_space<hbm>>
      tpu.wait_dma2 semaphore(%arg9 : memref<!tpu.dma_semaphore, #tpu.memory_space<semaphore_mem>>) src(%dma_wait3A_326 : memref<4x128xi32, #tpu.memory_space<hbm>>) dst(%dma_wait3A_324 : memref<4x128xi32, #tpu.memory_space<vmem>>)
      %and3A_327 = arith.constant 15 : i32
      %and3A_328 = arith.andi %add3A_224, %and3A_327 : i32
      %eq3A_329 = arith.constant 0 : i32
      %eq3A_330 = arith.cmpi eq, %and3A_328, %eq3A_329 : i32
      %broadcast_in_dim3A_331 = arith.constant 0.000000e+00 : f32
      %broadcast_in_dim3A_332 = vector.broadcast %broadcast_in_dim3A_331 : f32 to vector<16xf32>
      %select_n3A_333 = arith.select %eq3A_330, %broadcast_in_dim3A_332, %parallel_loop3A_215#0 : vector<16xf32>
      %broadcast_in_dim3A_334 = arith.constant 1.000000e+30 : f32
      %broadcast_in_dim3A_335 = vector.broadcast %broadcast_in_dim3A_334 : f32 to vector<16xf32>
      %select_n3A_336 = arith.select %eq3A_330, %broadcast_in_dim3A_335, %parallel_loop3A_215#1 : vector<16xf32>
      %parallel_loop3A_337 = arith.constant 0 : i32
      %parallel_loop3A_338 = arith.constant 32 : i32
      %parallel_loop3A_339 = arith.constant 1 : i32
      %parallel_loop3A_340:2 = scf.for %parallel_loop3A_348 = %parallel_loop3A_337 to %parallel_loop3A_338 step %parallel_loop3A_339 iter_args(%parallel_loop3A_349 = %select_n3A_333, %parallel_loop3A_350 = %select_n3A_336) -> (vector<16xf32>, vector<16xf32>)  : i32 {
        %parallel_loop3A_351 = arith.constant 3 : i32
        %parallel_loop3A_352 = arith.shrsi %parallel_loop3A_348, %parallel_loop3A_351 : i32
        %parallel_loop3A_353 = arith.constant 7 : i32
        %parallel_loop3A_354 = arith.andi %parallel_loop3A_348, %parallel_loop3A_353 : i32
        %parallel_loop3A_355 = arith.constant 16 : i32
        %parallel_loop3A_356 = arith.muli %parallel_loop3A_354, %parallel_loop3A_355 : i32
        %parallel_loop3A_357 = arith.constant 1 : i32
        %parallel_loop3A_358 = arith.constant 0 : i32
        %parallel_loop3A_359 = arith.index_cast %parallel_loop3A_357 : i32 to index
        %parallel_loop3A_360 = arith.index_cast %parallel_loop3A_358 : i32 to index
        %parallel_loop3A_361 = arith.index_cast %parallel_loop3A_352 : i32 to index
        %parallel_loop3A_362 = arith.index_cast %parallel_loop3A_356 : i32 to index
        %parallel_loop3A_363 = tpu.vector_load %arg5[%parallel_loop3A_359, %parallel_loop3A_360, %parallel_loop3A_361, %parallel_loop3A_362] {strides = array<i32>} : memref<2x19x4x128xf32, #tpu.memory_space<vmem>>, vector<16xf32>,
        %parallel_loop3A_364 = arith.constant 1 : i32
        %parallel_loop3A_365 = arith.constant 1 : i32
        %parallel_loop3A_366 = arith.index_cast %parallel_loop3A_364 : i32 to index
        %parallel_loop3A_367 = arith.index_cast %parallel_loop3A_365 : i32 to index
        %parallel_loop3A_368 = arith.index_cast %parallel_loop3A_352 : i32 to index
        %parallel_loop3A_369 = arith.index_cast %parallel_loop3A_356 : i32 to index
        %parallel_loop3A_370 = tpu.vector_load %arg5[%parallel_loop3A_366, %parallel_loop3A_367, %parallel_loop3A_368, %parallel_loop3A_369] {strides = array<i32>} : memref<2x19x4x128xf32, #tpu.memory_space<vmem>>, vector<16xf32>,
        %parallel_loop3A_371 = arith.constant 1 : i32
        %parallel_loop3A_372 = arith.constant 2 : i32
        %parallel_loop3A_373 = arith.index_cast %parallel_loop3A_371 : i32 to index
        %parallel_loop3A_374 = arith.index_cast %parallel_loop3A_372 : i32 to index
        %parallel_loop3A_375 = arith.index_cast %parallel_loop3A_352 : i32 to index
        %parallel_loop3A_376 = arith.index_cast %parallel_loop3A_356 : i32 to index
        %parallel_loop3A_377 = tpu.vector_load %arg5[%parallel_loop3A_373, %parallel_loop3A_374, %parallel_loop3A_375, %parallel_loop3A_376] {strides = array<i32>} : memref<2x19x4x128xf32, #tpu.memory_space<vmem>>, vector<16xf32>,
        %parallel_loop3A_378 = arith.constant 1 : i32
        %parallel_loop3A_379 = arith.constant 3 : i32
        %parallel_loop3A_380 = arith.index_cast %parallel_loop3A_378 : i32 to index
        %parallel_loop3A_381 = arith.index_cast %parallel_loop3A_379 : i32 to index
        %parallel_loop3A_382 = arith.index_cast %parallel_loop3A_352 : i32 to index
        %parallel_loop3A_383 = arith.index_cast %parallel_loop3A_356 : i32 to index
        %parallel_loop3A_384 = tpu.vector_load %arg5[%parallel_loop3A_380, %parallel_loop3A_381, %parallel_loop3A_382, %parallel_loop3A_383] {strides = array<i32>} : memref<2x19x4x128xf32, #tpu.memory_space<vmem>>, vector<16xf32>,
        %parallel_loop3A_385 = arith.constant 1 : i32
        %parallel_loop3A_386 = arith.constant 4 : i32
        %parallel_loop3A_387 = arith.index_cast %parallel_loop3A_385 : i32 to index
        %parallel_loop3A_388 = arith.index_cast %parallel_loop3A_386 : i32 to index
        %parallel_loop3A_389 = arith.index_cast %parallel_loop3A_352 : i32 to index
        %parallel_loop3A_390 = arith.index_cast %parallel_loop3A_356 : i32 to index
        %parallel_loop3A_391 = tpu.vector_load %arg5[%parallel_loop3A_387, %parallel_loop3A_388, %parallel_loop3A_389, %parallel_loop3A_390] {strides = array<i32>} : memref<2x19x4x128xf32, #tpu.memory_space<vmem>>, vector<16xf32>,
        %parallel_loop3A_392 = arith.constant 1 : i32
        %parallel_loop3A_393 = arith.constant 5 : i32
        %parallel_loop3A_394 = arith.index_cast %parallel_loop3A_392 : i32 to index
        %parallel_loop3A_395 = arith.index_cast %parallel_loop3A_393 : i32 to index
        %parallel_loop3A_396 = arith.index_cast %parallel_loop3A_352 : i32 to index
        %parallel_loop3A_397 = arith.index_cast %parallel_loop3A_356 : i32 to index
        %parallel_loop3A_398 = tpu.vector_load %arg5[%parallel_loop3A_394, %parallel_loop3A_395, %parallel_loop3A_396, %parallel_loop3A_397] {strides = array<i32>} : memref<2x19x4x128xf32, #tpu.memory_space<vmem>>, vector<16xf32>,
        %parallel_loop3A_399 = arith.constant 1 : i32
        %parallel_loop3A_400 = arith.constant 6 : i32
        %parallel_loop3A_401 = arith.index_cast %parallel_loop3A_399 : i32 to index
        %parallel_loop3A_402 = arith.index_cast %parallel_loop3A_400 : i32 to index
        %parallel_loop3A_403 = arith.index_cast %parallel_loop3A_352 : i32 to index
        %parallel_loop3A_404 = arith.index_cast %parallel_loop3A_356 : i32 to index
        %parallel_loop3A_405 = tpu.vector_load %arg5[%parallel_loop3A_401, %parallel_loop3A_402, %parallel_loop3A_403, %parallel_loop3A_404] {strides = array<i32>} : memref<2x19x4x128xf32, #tpu.memory_space<vmem>>, vector<16xf32>,
        %parallel_loop3A_406 = arith.constant 1 : i32
        %parallel_loop3A_407 = arith.constant 7 : i32
        %parallel_loop3A_408 = arith.index_cast %parallel_loop3A_406 : i32 to index
        %parallel_loop3A_409 = arith.index_cast %parallel_loop3A_407 : i32 to index
        %parallel_loop3A_410 = arith.index_cast %parallel_loop3A_352 : i32 to index
        %parallel_loop3A_411 = arith.index_cast %parallel_loop3A_356 : i32 to index
        %parallel_loop3A_412 = tpu.vector_load %arg5[%parallel_loop3A_408, %parallel_loop3A_409, %parallel_loop3A_410, %parallel_loop3A_411] {strides = array<i32>} : memref<2x19x4x128xf32, #tpu.memory_space<vmem>>, vector<16xf32>,
        %parallel_loop3A_413 = arith.constant 1 : i32
        %parallel_loop3A_414 = arith.constant 8 : i32
        %parallel_loop3A_415 = arith.index_cast %parallel_loop3A_413 : i32 to index
        %parallel_loop3A_416 = arith.index_cast %parallel_loop3A_414 : i32 to index
        %parallel_loop3A_417 = arith.index_cast %parallel_loop3A_352 : i32 to index
        %parallel_loop3A_418 = arith.index_cast %parallel_loop3A_356 : i32 to index
        %parallel_loop3A_419 = tpu.vector_load %arg5[%parallel_loop3A_415, %parallel_loop3A_416, %parallel_loop3A_417, %parallel_loop3A_418] {strides = array<i32>} : memref<2x19x4x128xf32, #tpu.memory_space<vmem>>, vector<16xf32>,
        %parallel_loop3A_420 = arith.constant 1 : i32
        %parallel_loop3A_421 = arith.constant 9 : i32
        %parallel_loop3A_422 = arith.index_cast %parallel_loop3A_420 : i32 to index
        %parallel_loop3A_423 = arith.index_cast %parallel_loop3A_421 : i32 to index
        %parallel_loop3A_424 = arith.index_cast %parallel_loop3A_352 : i32 to index
        %parallel_loop3A_425 = arith.index_cast %parallel_loop3A_356 : i32 to index
        %parallel_loop3A_426 = tpu.vector_load %arg5[%parallel_loop3A_422, %parallel_loop3A_423, %parallel_loop3A_424, %parallel_loop3A_425] {strides = array<i32>} : memref<2x19x4x128xf32, #tpu.memory_space<vmem>>, vector<16xf32>,
        %parallel_loop3A_427 = arith.constant 1 : i32
        %parallel_loop3A_428 = arith.constant 10 : i32
        %parallel_loop3A_429 = arith.index_cast %parallel_loop3A_427 : i32 to index
        %parallel_loop3A_430 = arith.index_cast %parallel_loop3A_428 : i32 to index
        %parallel_loop3A_431 = arith.index_cast %parallel_loop3A_352 : i32 to index
        %parallel_loop3A_432 = arith.index_cast %parallel_loop3A_356 : i32 to index
        %parallel_loop3A_433 = tpu.vector_load %arg5[%parallel_loop3A_429, %parallel_loop3A_430, %parallel_loop3A_431, %parallel_loop3A_432] {strides = array<i32>} : memref<2x19x4x128xf32, #tpu.memory_space<vmem>>, vector<16xf32>,
        %parallel_loop3A_434 = arith.constant 1 : i32
        %parallel_loop3A_435 = arith.constant 11 : i32
        %parallel_loop3A_436 = arith.index_cast %parallel_loop3A_434 : i32 to index
        %parallel_loop3A_437 = arith.index_cast %parallel_loop3A_435 : i32 to index
        %parallel_loop3A_438 = arith.index_cast %parallel_loop3A_352 : i32 to index
        %parallel_loop3A_439 = arith.index_cast %parallel_loop3A_356 : i32 to index
        %parallel_loop3A_440 = tpu.vector_load %arg5[%parallel_loop3A_436, %parallel_loop3A_437, %parallel_loop3A_438, %parallel_loop3A_439] {strides = array<i32>} : memref<2x19x4x128xf32, #tpu.memory_space<vmem>>, vector<16xf32>,
        %parallel_loop3A_441 = arith.constant 1 : i32
        %parallel_loop3A_442 = arith.constant 12 : i32
        %parallel_loop3A_443 = arith.index_cast %parallel_loop3A_441 : i32 to index
        %parallel_loop3A_444 = arith.index_cast %parallel_loop3A_442 : i32 to index
        %parallel_loop3A_445 = arith.index_cast %parallel_loop3A_352 : i32 to index
        %parallel_loop3A_446 = arith.index_cast %parallel_loop3A_356 : i32 to index
        %parallel_loop3A_447 = tpu.vector_load %arg5[%parallel_loop3A_443, %parallel_loop3A_444, %parallel_loop3A_445, %parallel_loop3A_446] {strides = array<i32>} : memref<2x19x4x128xf32, #tpu.memory_space<vmem>>, vector<16xf32>,
        %parallel_loop3A_448 = arith.constant 1 : i32
        %parallel_loop3A_449 = arith.constant 13 : i32
        %parallel_loop3A_450 = arith.index_cast %parallel_loop3A_448 : i32 to index
        %parallel_loop3A_451 = arith.index_cast %parallel_loop3A_449 : i32 to index
        %parallel_loop3A_452 = arith.index_cast %parallel_loop3A_352 : i32 to index
        %parallel_loop3A_453 = arith.index_cast %parallel_loop3A_356 : i32 to index
        %parallel_loop3A_454 = tpu.vector_load %arg5[%parallel_loop3A_450, %parallel_loop3A_451, %parallel_loop3A_452, %parallel_loop3A_453] {strides = array<i32>} : memref<2x19x4x128xf32, #tpu.memory_space<vmem>>, vector<16xf32>,
        %parallel_loop3A_455 = arith.constant 1 : i32
        %parallel_loop3A_456 = arith.constant 14 : i32
        %parallel_loop3A_457 = arith.index_cast %parallel_loop3A_455 : i32 to index
        %parallel_loop3A_458 = arith.index_cast %parallel_loop3A_456 : i32 to index
        %parallel_loop3A_459 = arith.index_cast %parallel_loop3A_352 : i32 to index
        %parallel_loop3A_460 = arith.index_cast %parallel_loop3A_356 : i32 to index
        %parallel_loop3A_461 = tpu.vector_load %arg5[%parallel_loop3A_457, %parallel_loop3A_458, %parallel_loop3A_459, %parallel_loop3A_460] {strides = array<i32>} : memref<2x19x4x128xf32, #tpu.memory_space<vmem>>, vector<16xf32>,
        %parallel_loop3A_462 = arith.constant 1 : i32
        %parallel_loop3A_463 = arith.constant 15 : i32
        %parallel_loop3A_464 = arith.index_cast %parallel_loop3A_462 : i32 to index
        %parallel_loop3A_465 = arith.index_cast %parallel_loop3A_463 : i32 to index
        %parallel_loop3A_466 = arith.index_cast %parallel_loop3A_352 : i32 to index
        %parallel_loop3A_467 = arith.index_cast %parallel_loop3A_356 : i32 to index
        %parallel_loop3A_468 = tpu.vector_load %arg5[%parallel_loop3A_464, %parallel_loop3A_465, %parallel_loop3A_466, %parallel_loop3A_467] {strides = array<i32>} : memref<2x19x4x128xf32, #tpu.memory_space<vmem>>, vector<16xf32>,
        %parallel_loop3A_469 = arith.constant 1 : i32
        %parallel_loop3A_470 = arith.constant 16 : i32
        %parallel_loop3A_471 = arith.index_cast %parallel_loop3A_469 : i32 to index
        %parallel_loop3A_472 = arith.index_cast %parallel_loop3A_470 : i32 to index
        %parallel_loop3A_473 = arith.index_cast %parallel_loop3A_352 : i32 to index
        %parallel_loop3A_474 = arith.index_cast %parallel_loop3A_356 : i32 to index
        %parallel_loop3A_475 = tpu.vector_load %arg5[%parallel_loop3A_471, %parallel_loop3A_472, %parallel_loop3A_473, %parallel_loop3A_474] {strides = array<i32>} : memref<2x19x4x128xf32, #tpu.memory_space<vmem>>, vector<16xf32>,
        %parallel_loop3A_476 = arith.constant 1 : i32
        %parallel_loop3A_477 = arith.constant 17 : i32
        %parallel_loop3A_478 = arith.index_cast %parallel_loop3A_476 : i32 to index
        %parallel_loop3A_479 = arith.index_cast %parallel_loop3A_477 : i32 to index
        %parallel_loop3A_480 = arith.index_cast %parallel_loop3A_352 : i32 to index
        %parallel_loop3A_481 = arith.index_cast %parallel_loop3A_356 : i32 to index
        %parallel_loop3A_482 = tpu.vector_load %arg5[%parallel_loop3A_478, %parallel_loop3A_479, %parallel_loop3A_480, %parallel_loop3A_481] {strides = array<i32>} : memref<2x19x4x128xf32, #tpu.memory_space<vmem>>, vector<16xf32>,
        %parallel_loop3A_483 = arith.constant 1 : i32
        %parallel_loop3A_484 = arith.constant 18 : i32
        %parallel_loop3A_485 = arith.index_cast %parallel_loop3A_483 : i32 to index
        %parallel_loop3A_486 = arith.index_cast %parallel_loop3A_484 : i32 to index
        %parallel_loop3A_487 = arith.index_cast %parallel_loop3A_352 : i32 to index
        %parallel_loop3A_488 = arith.index_cast %parallel_loop3A_356 : i32 to index
        %parallel_loop3A_489 = tpu.vector_load %arg5[%parallel_loop3A_485, %parallel_loop3A_486, %parallel_loop3A_487, %parallel_loop3A_488] {strides = array<i32>} : memref<2x19x4x128xf32, #tpu.memory_space<vmem>>, vector<16xf32>,
        %parallel_loop3A_490 = math.exp %parallel_loop3A_363 : vector<16xf32>
        %parallel_loop3A_491 = math.exp %parallel_loop3A_370 : vector<16xf32>
        %parallel_loop3A_492 = arith.addf %parallel_loop3A_490, %parallel_loop3A_491 : vector<16xf32>
        %parallel_loop3A_493 = math.exp %parallel_loop3A_377 : vector<16xf32>
        %parallel_loop3A_494 = arith.addf %parallel_loop3A_492, %parallel_loop3A_493 : vector<16xf32>
        %parallel_loop3A_495 = math.exp %parallel_loop3A_384 : vector<16xf32>
        %parallel_loop3A_496 = arith.addf %parallel_loop3A_494, %parallel_loop3A_495 : vector<16xf32>
        %parallel_loop3A_497 = math.exp %parallel_loop3A_391 : vector<16xf32>
        %parallel_loop3A_498 = arith.addf %parallel_loop3A_496, %parallel_loop3A_497 : vector<16xf32>
        %parallel_loop3A_499 = math.exp %parallel_loop3A_398 : vector<16xf32>
        %parallel_loop3A_500 = arith.addf %parallel_loop3A_498, %parallel_loop3A_499 : vector<16xf32>
        %parallel_loop3A_501 = math.exp %parallel_loop3A_405 : vector<16xf32>
        %parallel_loop3A_502 = arith.addf %parallel_loop3A_500, %parallel_loop3A_501 : vector<16xf32>
        %parallel_loop3A_503 = math.exp %parallel_loop3A_412 : vector<16xf32>
        %parallel_loop3A_504 = arith.addf %parallel_loop3A_502, %parallel_loop3A_503 : vector<16xf32>
        %parallel_loop3A_505 = math.exp %parallel_loop3A_419 : vector<16xf32>
        %parallel_loop3A_506 = arith.addf %parallel_loop3A_504, %parallel_loop3A_505 : vector<16xf32>
        %parallel_loop3A_507 = math.exp %parallel_loop3A_426 : vector<16xf32>
        %parallel_loop3A_508 = arith.addf %parallel_loop3A_506, %parallel_loop3A_507 : vector<16xf32>
        %parallel_loop3A_509 = math.exp %parallel_loop3A_433 : vector<16xf32>
        %parallel_loop3A_510 = arith.addf %parallel_loop3A_508, %parallel_loop3A_509 : vector<16xf32>
        %parallel_loop3A_511 = math.exp %parallel_loop3A_440 : vector<16xf32>
        %parallel_loop3A_512 = arith.addf %parallel_loop3A_510, %parallel_loop3A_511 : vector<16xf32>
        %parallel_loop3A_513 = math.exp %parallel_loop3A_447 : vector<16xf32>
        %parallel_loop3A_514 = arith.addf %parallel_loop3A_512, %parallel_loop3A_513 : vector<16xf32>
        %parallel_loop3A_515 = math.exp %parallel_loop3A_454 : vector<16xf32>
        %parallel_loop3A_516 = arith.addf %parallel_loop3A_514, %parallel_loop3A_515 : vector<16xf32>
        %parallel_loop3A_517 = math.exp %parallel_loop3A_461 : vector<16xf32>
        %parallel_loop3A_518 = arith.addf %parallel_loop3A_516, %parallel_loop3A_517 : vector<16xf32>
        %parallel_loop3A_519 = math.exp %parallel_loop3A_468 : vector<16xf32>
        %parallel_loop3A_520 = arith.addf %parallel_loop3A_518, %parallel_loop3A_519 : vector<16xf32>
        %parallel_loop3A_521 = math.exp %parallel_loop3A_475 : vector<16xf32>
        %parallel_loop3A_522 = arith.addf %parallel_loop3A_520, %parallel_loop3A_521 : vector<16xf32>
        %parallel_loop3A_523 = math.exp %parallel_loop3A_482 : vector<16xf32>
        %parallel_loop3A_524 = arith.addf %parallel_loop3A_522, %parallel_loop3A_523 : vector<16xf32>
        %parallel_loop3A_525 = math.exp %parallel_loop3A_489 : vector<16xf32>
        %parallel_loop3A_526 = arith.addf %parallel_loop3A_524, %parallel_loop3A_525 : vector<16xf32>
        %parallel_loop3A_527 = tpu.bitcast %parallel_loop3A_526 : vector<16xf32> -> vector<16xi32>
        %parallel_loop3A_528 = arith.constant 23 : i32
        %parallel_loop3A_529 = vector.broadcast %parallel_loop3A_528 : i32 to vector<16xi32>
        %parallel_loop3A_530 = arith.shrsi %parallel_loop3A_527, %parallel_loop3A_529 : vector<16xi32>
        %parallel_loop3A_531 = arith.constant 127 : i32
        %parallel_loop3A_532 = vector.broadcast %parallel_loop3A_531 : i32 to vector<16xi32>
        %parallel_loop3A_533 = arith.subi %parallel_loop3A_530, %parallel_loop3A_532 : vector<16xi32>
        %parallel_loop3A_534 = arith.constant 8388607 : i32
        %parallel_loop3A_535 = vector.broadcast %parallel_loop3A_534 : i32 to vector<16xi32>
        %parallel_loop3A_536 = arith.andi %parallel_loop3A_527, %parallel_loop3A_535 : vector<16xi32>
        %parallel_loop3A_537 = arith.constant 1065353216 : i32
        %parallel_loop3A_538 = vector.broadcast %parallel_loop3A_537 : i32 to vector<16xi32>
        %parallel_loop3A_539 = arith.ori %parallel_loop3A_536, %parallel_loop3A_538 : vector<16xi32>
        %parallel_loop3A_540 = tpu.bitcast %parallel_loop3A_539 : vector<16xi32> -> vector<16xf32>
        %parallel_loop3A_541 = arith.constant 1.000000e+00 : f32
        %parallel_loop3A_542 = vector.broadcast %parallel_loop3A_541 : f32 to vector<16xf32>
        %parallel_loop3A_543 = arith.subf %parallel_loop3A_540, %parallel_loop3A_542 : vector<16xf32>
        %parallel_loop3A_544 = arith.constant 1.000000e+00 : f32
        %parallel_loop3A_545 = vector.broadcast %parallel_loop3A_544 : f32 to vector<16xf32>
        %parallel_loop3A_546 = arith.addf %parallel_loop3A_540, %parallel_loop3A_545 : vector<16xf32>
        %parallel_loop3A_547 = arith.divf %parallel_loop3A_543, %parallel_loop3A_546 : vector<16xf32>
        %parallel_loop3A_548 = arith.mulf %parallel_loop3A_547, %parallel_loop3A_547 : vector<16xf32>
        %parallel_loop3A_549 = arith.constant 0.111111112 : f32
        %parallel_loop3A_550 = vector.broadcast %parallel_loop3A_549 : f32 to vector<16xf32>
        %parallel_loop3A_551 = arith.mulf %parallel_loop3A_548, %parallel_loop3A_550 : vector<16xf32>
        %parallel_loop3A_552 = arith.constant 0.142857149 : f32
        %parallel_loop3A_553 = vector.broadcast %parallel_loop3A_552 : f32 to vector<16xf32>
        %parallel_loop3A_554 = arith.addf %parallel_loop3A_551, %parallel_loop3A_553 : vector<16xf32>
        %parallel_loop3A_555 = arith.mulf %parallel_loop3A_554, %parallel_loop3A_548 : vector<16xf32>
        %parallel_loop3A_556 = arith.constant 2.000000e-01 : f32
        %parallel_loop3A_557 = vector.broadcast %parallel_loop3A_556 : f32 to vector<16xf32>
        %parallel_loop3A_558 = arith.addf %parallel_loop3A_555, %parallel_loop3A_557 : vector<16xf32>
        %parallel_loop3A_559 = arith.mulf %parallel_loop3A_558, %parallel_loop3A_548 : vector<16xf32>
        %parallel_loop3A_560 = arith.constant 0.333333343 : f32
        %parallel_loop3A_561 = vector.broadcast %parallel_loop3A_560 : f32 to vector<16xf32>
        %parallel_loop3A_562 = arith.addf %parallel_loop3A_559, %parallel_loop3A_561 : vector<16xf32>
        %parallel_loop3A_563 = arith.mulf %parallel_loop3A_562, %parallel_loop3A_548 : vector<16xf32>
        %parallel_loop3A_564 = arith.constant 1.000000e+00 : f32
        %parallel_loop3A_565 = vector.broadcast %parallel_loop3A_564 : f32 to vector<16xf32>
        %parallel_loop3A_566 = arith.addf %parallel_loop3A_563, %parallel_loop3A_565 : vector<16xf32>
        %parallel_loop3A_567 = arith.sitofp %parallel_loop3A_533 : vector<16xi32> to vector<16xf32>
        %parallel_loop3A_568 = arith.constant 0.693147182 : f32
        %parallel_loop3A_569 = vector.broadcast %parallel_loop3A_568 : f32 to vector<16xf32>
        %parallel_loop3A_570 = arith.mulf %parallel_loop3A_567, %parallel_loop3A_569 : vector<16xf32>
        %parallel_loop3A_571 = arith.constant 2.000000e+00 : f32
        %parallel_loop3A_572 = vector.broadcast %parallel_loop3A_571 : f32 to vector<16xf32>
        %parallel_loop3A_573 = arith.mulf %parallel_loop3A_572, %parallel_loop3A_547 : vector<16xf32>
        %parallel_loop3A_574 = arith.mulf %parallel_loop3A_573, %parallel_loop3A_566 : vector<16xf32>
        %parallel_loop3A_575 = arith.addf %parallel_loop3A_570, %parallel_loop3A_574 : vector<16xf32>
        %parallel_loop3A_576 = arith.constant 1 : i32
        %parallel_loop3A_577 = arith.index_cast %parallel_loop3A_576 : i32 to index
        %parallel_loop3A_578 = arith.index_cast %parallel_loop3A_352 : i32 to index
        %parallel_loop3A_579 = arith.index_cast %parallel_loop3A_356 : i32 to index
        %parallel_loop3A_580 = tpu.vector_load %arg6[%parallel_loop3A_577, %parallel_loop3A_578, %parallel_loop3A_579] {strides = array<i32>} : memref<2x4x128xi32, #tpu.memory_space<vmem>>, vector<16xi32>,
        %parallel_loop3A_581 = arith.constant 0 : i32
        %parallel_loop3A_582 = vector.broadcast %parallel_loop3A_581 : i32 to vector<16xi32>
        %parallel_loop3A_583 = vector.broadcast %parallel_loop3A_352 : i32 to vector<16xi32>
        %parallel_loop3A_584 = arith.addi %parallel_loop3A_582, %parallel_loop3A_583 : vector<16xi32>
        %parallel_loop3A_585 = tpu.iota {dimensions = array<i32: 0>} : vector<16xi32>
        %parallel_loop3A_586 = vector.broadcast %parallel_loop3A_356 : i32 to vector<16xi32>
        %parallel_loop3A_587 = arith.addi %parallel_loop3A_586, %parallel_loop3A_585 : vector<16xi32>
        %parallel_loop3A_588 = arith.constant 1 : i32
        %parallel_loop3A_589 = arith.constant 0 : i32
        %parallel_loop3A_590 = arith.constant 0 : i32
        %parallel_loop3A_591 = arith.constant 0 : i32
        %parallel_loop3A_592 = tpu.memref_slice %arg5[%parallel_loop3A_588, %parallel_loop3A_589, %parallel_loop3A_590, %parallel_loop3A_591] : memref<2x19x4x128xf32, #tpu.memory_space<vmem>> -> memref<1x19x4x128xf32, #tpu.memory_space<vmem>>
        %parallel_loop3A_593 = tpu.memref_squeeze %parallel_loop3A_592 : memref<1x19x4x128xf32, #tpu.memory_space<vmem>> -> memref<19x4x128xf32, #tpu.memory_space<vmem>>
        %parallel_loop3A_594 = tpu.vector_load_idx %parallel_loop3A_593[%parallel_loop3A_580, %parallel_loop3A_584, %parallel_loop3A_587] : memref<19x4x128xf32, #tpu.memory_space<vmem>>[vector<16xi32>, vector<16xi32>, vector<16xi32>], vector<16xf32>,
        %parallel_loop3A_595 = arith.subf %parallel_loop3A_575, %parallel_loop3A_594 : vector<16xf32>
        %parallel_loop3A_596 = arith.addf %parallel_loop3A_349, %parallel_loop3A_595 : vector<16xf32>
        %parallel_loop3A_597 = arith.minimumf %parallel_loop3A_350, %parallel_loop3A_595 : vector<16xf32>
        scf.yield %parallel_loop3A_596, %parallel_loop3A_597 : vector<16xf32>, vector<16xf32>
      } {sc.loop_unroll_factor = 2 : i64, sc.parallel_access}
      %and3A_341 = arith.constant 15 : i32
      %and3A_342 = arith.andi %add3A_224, %and3A_341 : i32
      %eq3A_343 = arith.constant 15 : i32
      %eq3A_344 = arith.cmpi eq, %and3A_342, %eq3A_343 : i32
      %convert_element_type3A_345 = arith.extui %eq3A_344 : i1 to i32
      %cond3A_346 = arith.constant 0 : i32
      %cond3A_347 = arith.cmpi ne, %convert_element_type3A_345, %cond3A_346 : i32
      scf.if %cond3A_347 {
        %shift_right_arithmetic3A_348 = arith.constant 4 : i32
        %shift_right_arithmetic3A_349 = arith.shrsi %add3A_224, %shift_right_arithmetic3A_348 : i32
        %swap3A = arith.constant 0 : i32
        %swap3A_350 = arith.index_cast %shift_right_arithmetic3A_349 : i32 to index
        %swap3A_351 = arith.index_cast %swap3A : i32 to index
        %swap3A_352 = arith.constant 0 : index
        %swap3A_353 = tpu.vector_load %arg7[%swap3A_350, %swap3A_351, %swap3A_352] {strides = array<i32>} : memref<3x2x16xf32, #tpu.memory_space<vmem>>, vector<16xf32>,
        tpu.vector_store %arg7[%swap3A_350, %swap3A_351, %swap3A_352], %parallel_loop3A_340#0 {strides = array<i32>} : memref<3x2x16xf32, #tpu.memory_space<vmem>>, vector<16xf32>,
        %swap3A_354 = arith.constant 1 : i32
        %swap3A_355 = arith.index_cast %shift_right_arithmetic3A_349 : i32 to index
        %swap3A_356 = arith.index_cast %swap3A_354 : i32 to index
        %swap3A_357 = arith.constant 0 : index
        %swap3A_358 = tpu.vector_load %arg7[%swap3A_355, %swap3A_356, %swap3A_357] {strides = array<i32>} : memref<3x2x16xf32, #tpu.memory_space<vmem>>, vector<16xf32>,
        tpu.vector_store %arg7[%swap3A_355, %swap3A_356, %swap3A_357], %parallel_loop3A_340#1 {strides = array<i32>} : memref<3x2x16xf32, #tpu.memory_space<vmem>>, vector<16xf32>,
      } else {
      }
      scf.yield %parallel_loop3A_340#0, %parallel_loop3A_340#1 : vector<16xf32>, vector<16xf32>
    }
    %scan3A_51 = arith.constant 24 : i32
    %mul3A_52 = arith.constant 8 : i32
    %mul3A_53 = arith.muli %add3A, %mul3A_52 : i32
    %add3A_54 = arith.constant 0 : i32
    %add3A_55 = arith.addi %mul3A_53, %add3A_54 : i32
    %shift_right_arithmetic3A_56 = arith.constant 2 : i32
    %shift_right_arithmetic3A_57 = arith.shrsi %add3A_55, %shift_right_arithmetic3A_56 : i32
    %mul3A_58 = arith.constant 8 : i32
    %mul3A_59 = arith.muli %shift_right_arithmetic3A_57, %mul3A_58 : i32
    %add3A_60 = arith.constant 0 : i32
    %add3A_61 = arith.addi %mul3A_59, %add3A_60 : i32
    %and3A_62 = arith.constant 3 : i32
    %and3A_63 = arith.andi %add3A_55, %and3A_62 : i32
    %mul3A_64 = arith.constant 128 : i32
    %mul3A_65 = arith.muli %and3A_63, %mul3A_64 : i32
    %dma_wait3A = arith.constant 0 : i32
    %dma_wait3A_66 = arith.constant 0 : i32
    %dma_wait3A_67 = arith.constant 0 : i32
    %dma_wait3A_68 = arith.constant 0 : i32
    %dma_wait3A_69 = arith.constant 0 : i32
    %dma_wait3A_70 = tpu.memref_slice %arg5[%dma_wait3A_66, %dma_wait3A_67, %dma_wait3A_68, %dma_wait3A_69] : memref<2x19x4x128xf32, #tpu.memory_space<vmem>> -> memref<1x19x4x128xf32, #tpu.memory_space<vmem>>
    %dma_wait3A_71 = tpu.memref_squeeze %dma_wait3A_70 : memref<1x19x4x128xf32, #tpu.memory_space<vmem>> -> memref<19x4x128xf32, #tpu.memory_space<vmem>>
    %dma_wait3A_72 = arith.constant 0 : i32
    %dma_wait3A_73 = tpu.memref_slice %arg2[%dma_wait3A, %dma_wait3A_72, %add3A_61, %mul3A_65] : memref<8x19x512x512xf32, #tpu.memory_space<hbm>> -> memref<1x19x4x128xf32, #tpu.memory_space<hbm>>
    %dma_wait3A_74 = tpu.memref_squeeze %dma_wait3A_73 : memref<1x19x4x128xf32, #tpu.memory_space<hbm>> -> memref<19x4x128xf32, #tpu.memory_space<hbm>>
    %dma_wait3A_75 = arith.constant 0 : i32
    %dma_wait3A_76 = arith.constant 0 : i32
    %dma_wait3A_77 = arith.constant 0 : i32
    %dma_wait3A_78 = tpu.memref_slice %arg5[%dma_wait3A_66, %dma_wait3A_75, %dma_wait3A_76, %dma_wait3A_77] : memref<2x19x4x128xf32, #tpu.memory_space<vmem>> -> memref<1x19x4x128xf32, #tpu.memory_space<vmem>>
    %dma_wait3A_79 = tpu.memref_squeeze %dma_wait3A_78 : memref<1x19x4x128xf32, #tpu.memory_space<vmem>> -> memref<19x4x128xf32, #tpu.memory_space<vmem>>
    %dma_wait3A_80 = arith.constant 0 : i32
    %dma_wait3A_81 = tpu.memref_slice %arg2[%dma_wait3A, %dma_wait3A_80, %add3A_61, %mul3A_65] : memref<8x19x512x512xf32, #tpu.memory_space<hbm>> -> memref<1x19x4x128xf32, #tpu.memory_space<hbm>>
    %dma_wait3A_82 = tpu.memref_squeeze %dma_wait3A_81 : memref<1x19x4x128xf32, #tpu.memory_space<hbm>> -> memref<19x4x128xf32, #tpu.memory_space<hbm>>
    tpu.wait_dma2 semaphore(%arg8 : memref<!tpu.dma_semaphore, #tpu.memory_space<semaphore_mem>>) src(%dma_wait3A_82 : memref<19x4x128xf32, #tpu.memory_space<hbm>>) dst(%dma_wait3A_79 : memref<19x4x128xf32, #tpu.memory_space<vmem>>)
    %dma_wait3A_83 = arith.constant 0 : i32
    %dma_wait3A_84 = arith.constant 0 : i32
    %dma_wait3A_85 = arith.constant 0 : i32
    %dma_wait3A_86 = arith.constant 0 : i32
    %dma_wait3A_87 = tpu.memref_slice %arg6[%dma_wait3A_84, %dma_wait3A_85, %dma_wait3A_86] : memref<2x4x128xi32, #tpu.memory_space<vmem>> -> memref<1x4x128xi32, #tpu.memory_space<vmem>>
    %dma_wait3A_88 = tpu.memref_squeeze %dma_wait3A_87 : memref<1x4x128xi32, #tpu.memory_space<vmem>> -> memref<4x128xi32, #tpu.memory_space<vmem>>
    %dma_wait3A_89 = tpu.memref_slice %arg3[%dma_wait3A_83, %add3A_61, %mul3A_65] : memref<8x512x512xi32, #tpu.memory_space<hbm>> -> memref<1x4x128xi32, #tpu.memory_space<hbm>>
    %dma_wait3A_90 = tpu.memref_squeeze %dma_wait3A_89 : memref<1x4x128xi32, #tpu.memory_space<hbm>> -> memref<4x128xi32, #tpu.memory_space<hbm>>
    %dma_wait3A_91 = arith.constant 0 : i32
    %dma_wait3A_92 = arith.constant 0 : i32
    %dma_wait3A_93 = tpu.memref_slice %arg6[%dma_wait3A_84, %dma_wait3A_91, %dma_wait3A_92] : memref<2x4x128xi32, #tpu.memory_space<vmem>> -> memref<1x4x128xi32, #tpu.memory_space<vmem>>
    %dma_wait3A_94 = tpu.memref_squeeze %dma_wait3A_93 : memref<1x4x128xi32, #tpu.memory_space<vmem>> -> memref<4x128xi32, #tpu.memory_space<vmem>>
    %dma_wait3A_95 = tpu.memref_slice %arg3[%dma_wait3A_83, %add3A_61, %mul3A_65] : memref<8x512x512xi32, #tpu.memory_space<hbm>> -> memref<1x4x128xi32, #tpu.memory_space<hbm>>
    %dma_wait3A_96 = tpu.memref_squeeze %dma_wait3A_95 : memref<1x4x128xi32, #tpu.memory_space<hbm>> -> memref<4x128xi32, #tpu.memory_space<hbm>>
    tpu.wait_dma2 semaphore(%arg8 : memref<!tpu.dma_semaphore, #tpu.memory_space<semaphore_mem>>) src(%dma_wait3A_96 : memref<4x128xi32, #tpu.memory_space<hbm>>) dst(%dma_wait3A_94 : memref<4x128xi32, #tpu.memory_space<vmem>>)
    "tpu.region"() ({
      %run_scoped3A = tpu.sem_alloc : memref<!tpu.dma_semaphore, #tpu.memory_space<semaphore_mem>>
      %dma_start3A_97 = arith.constant 0 : i32
      %dma_start3A_98 = arith.constant 0 : i32
      %dma_start3A_99 = arith.constant 0 : i32
      %dma_start3A_100 = tpu.memref_slice %arg4[%add3A, %dma_start3A_97, %dma_start3A_98, %dma_start3A_99] : memref<32x3x2x16xf32, #tpu.memory_space<hbm>> -> memref<1x3x2x16xf32, #tpu.memory_space<hbm>>
      %dma_start3A_101 = tpu.memref_squeeze %dma_start3A_100 : memref<1x3x2x16xf32, #tpu.memory_space<hbm>> -> memref<3x2x16xf32, #tpu.memory_space<hbm>>
      %dma_start3A_102 = arith.constant 0 : i32
      %dma_start3A_103 = arith.constant 0 : i32
      %dma_start3A_104 = arith.constant 0 : i32
      %dma_start3A_105 = tpu.memref_slice %arg4[%add3A, %dma_start3A_102, %dma_start3A_103, %dma_start3A_104] : memref<32x3x2x16xf32, #tpu.memory_space<hbm>> -> memref<1x3x2x16xf32, #tpu.memory_space<hbm>>
      %dma_start3A_106 = tpu.memref_squeeze %dma_start3A_105 : memref<1x3x2x16xf32, #tpu.memory_space<hbm>> -> memref<3x2x16xf32, #tpu.memory_space<hbm>>
      tpu.enqueue_dma source(%arg7 : memref<3x2x16xf32, #tpu.memory_space<vmem>>) target(%dma_start3A_106 : memref<3x2x16xf32, #tpu.memory_space<hbm>>) target_semaphore(%run_scoped3A : memref<!tpu.dma_semaphore, #tpu.memory_space<semaphore_mem>>)
      %dma_wait3A_107 = arith.constant 0 : i32
      %dma_wait3A_108 = arith.constant 0 : i32
      %dma_wait3A_109 = arith.constant 0 : i32
      %dma_wait3A_110 = tpu.memref_slice %arg4[%add3A, %dma_wait3A_107, %dma_wait3A_108, %dma_wait3A_109] : memref<32x3x2x16xf32, #tpu.memory_space<hbm>> -> memref<1x3x2x16xf32, #tpu.memory_space<hbm>>
      %dma_wait3A_111 = tpu.memref_squeeze %dma_wait3A_110 : memref<1x3x2x16xf32, #tpu.memory_space<hbm>> -> memref<3x2x16xf32, #tpu.memory_space<hbm>>
      %dma_wait3A_112 = arith.constant 0 : i32
      %dma_wait3A_113 = arith.constant 0 : i32
      %dma_wait3A_114 = arith.constant 0 : i32
      %dma_wait3A_115 = tpu.memref_slice %arg4[%add3A, %dma_wait3A_112, %dma_wait3A_113, %dma_wait3A_114] : memref<32x3x2x16xf32, #tpu.memory_space<hbm>> -> memref<1x3x2x16xf32, #tpu.memory_space<hbm>>
      %dma_wait3A_116 = tpu.memref_squeeze %dma_wait3A_115 : memref<1x3x2x16xf32, #tpu.memory_space<hbm>> -> memref<3x2x16xf32, #tpu.memory_space<hbm>>
      tpu.wait_dma2 semaphore(%run_scoped3A : memref<!tpu.dma_semaphore, #tpu.memory_space<semaphore_mem>>) src(%arg7 : memref<3x2x16xf32, #tpu.memory_space<vmem>>) dst(%dma_wait3A_116 : memref<3x2x16xf32, #tpu.memory_space<hbm>>)
      tpu.yield
    }) : () -> ()
    return
  }
}

module attributes {stable_mosaic.version = 14 : i64} {
  func.func @_tc_body(%arg0: i32, %arg1: i32, %arg2: memref<1x19x64x512xf32, #tpu.memory_space<vmem>>, %arg3: memref<1x64x512xi32, #tpu.memory_space<vmem>>, %arg4: memref<5x8xf32, #tpu.memory_space<smem>>, %arg5: memref<5x8xf32, #tpu.memory_space<smem>>) attributes {dimension_semantics = [#tpu.dimension_semantics<arbitrary>, #tpu.dimension_semantics<arbitrary>], iteration_bounds = array<i64: 5, 8>, scalar_prefetch = 0 : i64, scratch_operands = 0 : i64, tpu.core_type = #tpu.core_type<tc>, window_params = [{transform_indices = @transform_0, window_bounds = array<i64: 1, 19, 64, 512>}, {transform_indices = @transform_1, window_bounds = array<i64: 1, 64, 512>}, {transform_indices = @transform_2, window_bounds = array<i64: 5, 8>}, {transform_indices = @transform_3, window_bounds = array<i64: 5, 8>}]} {
    %get3A = arith.constant 0 : index
    %get3A_0 = arith.constant 0 : index
    %get3A_1 = arith.constant 0 : index
    %get3A_2 = arith.constant 0 : index
    %get3A_3 = vector.load %arg2[%get3A, %get3A_0, %get3A_1, %get3A_2] : memref<1x19x64x512xf32, #tpu.memory_space<vmem>>, vector<1x19x64x512xf32>
    %get3A_4 = vector.shape_cast %get3A_3 : vector<1x19x64x512xf32> to vector<19x64x512xf32>
    %get3A_5 = arith.constant 0 : index
    %get3A_6 = arith.constant 0 : index
    %get3A_7 = arith.constant 0 : index
    %get3A_8 = vector.load %arg3[%get3A_5, %get3A_6, %get3A_7] : memref<1x64x512xi32, #tpu.memory_space<vmem>>, vector<1x64x512xi32>
    %get3A_9 = vector.shape_cast %get3A_8 : vector<1x64x512xi32> to vector<64x512xi32>
    %slice3A = vector.extract_strided_slice %get3A_4 {offsets = [0, 0, 0], sizes = [1, 64, 512], strides = [1, 1, 1]} : vector<19x64x512xf32> to vector<1x64x512xf32>
    %squeeze3A = vector.shape_cast %slice3A : vector<1x64x512xf32> to vector<64x512xf32>
    %exp3A = math.exp %squeeze3A : vector<64x512xf32>
    %eq3A = arith.constant 0 : i32
    %eq3A_10 = vector.broadcast %eq3A : i32 to vector<64x512xi32>
    %eq3A_11 = arith.cmpi eq, %get3A_9, %eq3A_10 : vector<64x512xi32>
    %slice3A_12 = vector.extract_strided_slice %get3A_4 {offsets = [0, 0, 0], sizes = [1, 64, 512], strides = [1, 1, 1]} : vector<19x64x512xf32> to vector<1x64x512xf32>
    %squeeze3A_13 = vector.shape_cast %slice3A_12 : vector<1x64x512xf32> to vector<64x512xf32>
    %jit3A = arith.constant 0.000000e+00 : f32
    %broadcast_in_dim3A = vector.broadcast %jit3A : f32 to vector<64x512xf32>
    %select_n3A = arith.select %eq3A_11, %squeeze3A_13, %broadcast_in_dim3A : vector<64x512xi1>, vector<64x512xf32>
    %slice3A_14 = vector.extract_strided_slice %get3A_4 {offsets = [1, 0, 0], sizes = [1, 64, 512], strides = [1, 1, 1]} : vector<19x64x512xf32> to vector<1x64x512xf32>
    %squeeze3A_15 = vector.shape_cast %slice3A_14 : vector<1x64x512xf32> to vector<64x512xf32>
    %exp3A_16 = math.exp %squeeze3A_15 : vector<64x512xf32>
    %add3A = arith.addf %exp3A, %exp3A_16 : vector<64x512xf32>
    %eq3A_17 = arith.constant 1 : i32
    %eq3A_18 = vector.broadcast %eq3A_17 : i32 to vector<64x512xi32>
    %eq3A_19 = arith.cmpi eq, %get3A_9, %eq3A_18 : vector<64x512xi32>
    %slice3A_20 = vector.extract_strided_slice %get3A_4 {offsets = [1, 0, 0], sizes = [1, 64, 512], strides = [1, 1, 1]} : vector<19x64x512xf32> to vector<1x64x512xf32>
    %squeeze3A_21 = vector.shape_cast %slice3A_20 : vector<1x64x512xf32> to vector<64x512xf32>
    %jit3A_22 = arith.constant 0.000000e+00 : f32
    %broadcast_in_dim3A_23 = vector.broadcast %jit3A_22 : f32 to vector<64x512xf32>
    %select_n3A_24 = arith.select %eq3A_19, %squeeze3A_21, %broadcast_in_dim3A_23 : vector<64x512xi1>, vector<64x512xf32>
    %add3A_25 = arith.addf %select_n3A, %select_n3A_24 : vector<64x512xf32>
    %slice3A_26 = vector.extract_strided_slice %get3A_4 {offsets = [2, 0, 0], sizes = [1, 64, 512], strides = [1, 1, 1]} : vector<19x64x512xf32> to vector<1x64x512xf32>
    %squeeze3A_27 = vector.shape_cast %slice3A_26 : vector<1x64x512xf32> to vector<64x512xf32>
    %exp3A_28 = math.exp %squeeze3A_27 : vector<64x512xf32>
    %add3A_29 = arith.addf %add3A, %exp3A_28 : vector<64x512xf32>
    %eq3A_30 = arith.constant 2 : i32
    %eq3A_31 = vector.broadcast %eq3A_30 : i32 to vector<64x512xi32>
    %eq3A_32 = arith.cmpi eq, %get3A_9, %eq3A_31 : vector<64x512xi32>
    %slice3A_33 = vector.extract_strided_slice %get3A_4 {offsets = [2, 0, 0], sizes = [1, 64, 512], strides = [1, 1, 1]} : vector<19x64x512xf32> to vector<1x64x512xf32>
    %squeeze3A_34 = vector.shape_cast %slice3A_33 : vector<1x64x512xf32> to vector<64x512xf32>
    %jit3A_35 = arith.constant 0.000000e+00 : f32
    %broadcast_in_dim3A_36 = vector.broadcast %jit3A_35 : f32 to vector<64x512xf32>
    %select_n3A_37 = arith.select %eq3A_32, %squeeze3A_34, %broadcast_in_dim3A_36 : vector<64x512xi1>, vector<64x512xf32>
    %add3A_38 = arith.addf %add3A_25, %select_n3A_37 : vector<64x512xf32>
    %slice3A_39 = vector.extract_strided_slice %get3A_4 {offsets = [3, 0, 0], sizes = [1, 64, 512], strides = [1, 1, 1]} : vector<19x64x512xf32> to vector<1x64x512xf32>
    %squeeze3A_40 = vector.shape_cast %slice3A_39 : vector<1x64x512xf32> to vector<64x512xf32>
    %exp3A_41 = math.exp %squeeze3A_40 : vector<64x512xf32>
    %add3A_42 = arith.addf %add3A_29, %exp3A_41 : vector<64x512xf32>
    %eq3A_43 = arith.constant 3 : i32
    %eq3A_44 = vector.broadcast %eq3A_43 : i32 to vector<64x512xi32>
    %eq3A_45 = arith.cmpi eq, %get3A_9, %eq3A_44 : vector<64x512xi32>
    %slice3A_46 = vector.extract_strided_slice %get3A_4 {offsets = [3, 0, 0], sizes = [1, 64, 512], strides = [1, 1, 1]} : vector<19x64x512xf32> to vector<1x64x512xf32>
    %squeeze3A_47 = vector.shape_cast %slice3A_46 : vector<1x64x512xf32> to vector<64x512xf32>
    %jit3A_48 = arith.constant 0.000000e+00 : f32
    %broadcast_in_dim3A_49 = vector.broadcast %jit3A_48 : f32 to vector<64x512xf32>
    %select_n3A_50 = arith.select %eq3A_45, %squeeze3A_47, %broadcast_in_dim3A_49 : vector<64x512xi1>, vector<64x512xf32>
    %add3A_51 = arith.addf %add3A_38, %select_n3A_50 : vector<64x512xf32>
    %slice3A_52 = vector.extract_strided_slice %get3A_4 {offsets = [4, 0, 0], sizes = [1, 64, 512], strides = [1, 1, 1]} : vector<19x64x512xf32> to vector<1x64x512xf32>
    %squeeze3A_53 = vector.shape_cast %slice3A_52 : vector<1x64x512xf32> to vector<64x512xf32>
    %exp3A_54 = math.exp %squeeze3A_53 : vector<64x512xf32>
    %add3A_55 = arith.addf %add3A_42, %exp3A_54 : vector<64x512xf32>
    %eq3A_56 = arith.constant 4 : i32
    %eq3A_57 = vector.broadcast %eq3A_56 : i32 to vector<64x512xi32>
    %eq3A_58 = arith.cmpi eq, %get3A_9, %eq3A_57 : vector<64x512xi32>
    %slice3A_59 = vector.extract_strided_slice %get3A_4 {offsets = [4, 0, 0], sizes = [1, 64, 512], strides = [1, 1, 1]} : vector<19x64x512xf32> to vector<1x64x512xf32>
    %squeeze3A_60 = vector.shape_cast %slice3A_59 : vector<1x64x512xf32> to vector<64x512xf32>
    %jit3A_61 = arith.constant 0.000000e+00 : f32
    %broadcast_in_dim3A_62 = vector.broadcast %jit3A_61 : f32 to vector<64x512xf32>
    %select_n3A_63 = arith.select %eq3A_58, %squeeze3A_60, %broadcast_in_dim3A_62 : vector<64x512xi1>, vector<64x512xf32>
    %add3A_64 = arith.addf %add3A_51, %select_n3A_63 : vector<64x512xf32>
    %slice3A_65 = vector.extract_strided_slice %get3A_4 {offsets = [5, 0, 0], sizes = [1, 64, 512], strides = [1, 1, 1]} : vector<19x64x512xf32> to vector<1x64x512xf32>
    %squeeze3A_66 = vector.shape_cast %slice3A_65 : vector<1x64x512xf32> to vector<64x512xf32>
    %exp3A_67 = math.exp %squeeze3A_66 : vector<64x512xf32>
    %add3A_68 = arith.addf %add3A_55, %exp3A_67 : vector<64x512xf32>
    %eq3A_69 = arith.constant 5 : i32
    %eq3A_70 = vector.broadcast %eq3A_69 : i32 to vector<64x512xi32>
    %eq3A_71 = arith.cmpi eq, %get3A_9, %eq3A_70 : vector<64x512xi32>
    %slice3A_72 = vector.extract_strided_slice %get3A_4 {offsets = [5, 0, 0], sizes = [1, 64, 512], strides = [1, 1, 1]} : vector<19x64x512xf32> to vector<1x64x512xf32>
    %squeeze3A_73 = vector.shape_cast %slice3A_72 : vector<1x64x512xf32> to vector<64x512xf32>
    %jit3A_74 = arith.constant 0.000000e+00 : f32
    %broadcast_in_dim3A_75 = vector.broadcast %jit3A_74 : f32 to vector<64x512xf32>
    %select_n3A_76 = arith.select %eq3A_71, %squeeze3A_73, %broadcast_in_dim3A_75 : vector<64x512xi1>, vector<64x512xf32>
    %add3A_77 = arith.addf %add3A_64, %select_n3A_76 : vector<64x512xf32>
    %slice3A_78 = vector.extract_strided_slice %get3A_4 {offsets = [6, 0, 0], sizes = [1, 64, 512], strides = [1, 1, 1]} : vector<19x64x512xf32> to vector<1x64x512xf32>
    %squeeze3A_79 = vector.shape_cast %slice3A_78 : vector<1x64x512xf32> to vector<64x512xf32>
    %exp3A_80 = math.exp %squeeze3A_79 : vector<64x512xf32>
    %add3A_81 = arith.addf %add3A_68, %exp3A_80 : vector<64x512xf32>
    %eq3A_82 = arith.constant 6 : i32
    %eq3A_83 = vector.broadcast %eq3A_82 : i32 to vector<64x512xi32>
    %eq3A_84 = arith.cmpi eq, %get3A_9, %eq3A_83 : vector<64x512xi32>
    %slice3A_85 = vector.extract_strided_slice %get3A_4 {offsets = [6, 0, 0], sizes = [1, 64, 512], strides = [1, 1, 1]} : vector<19x64x512xf32> to vector<1x64x512xf32>
    %squeeze3A_86 = vector.shape_cast %slice3A_85 : vector<1x64x512xf32> to vector<64x512xf32>
    %jit3A_87 = arith.constant 0.000000e+00 : f32
    %broadcast_in_dim3A_88 = vector.broadcast %jit3A_87 : f32 to vector<64x512xf32>
    %select_n3A_89 = arith.select %eq3A_84, %squeeze3A_86, %broadcast_in_dim3A_88 : vector<64x512xi1>, vector<64x512xf32>
    %add3A_90 = arith.addf %add3A_77, %select_n3A_89 : vector<64x512xf32>
    %slice3A_91 = vector.extract_strided_slice %get3A_4 {offsets = [7, 0, 0], sizes = [1, 64, 512], strides = [1, 1, 1]} : vector<19x64x512xf32> to vector<1x64x512xf32>
    %squeeze3A_92 = vector.shape_cast %slice3A_91 : vector<1x64x512xf32> to vector<64x512xf32>
    %exp3A_93 = math.exp %squeeze3A_92 : vector<64x512xf32>
    %add3A_94 = arith.addf %add3A_81, %exp3A_93 : vector<64x512xf32>
    %eq3A_95 = arith.constant 7 : i32
    %eq3A_96 = vector.broadcast %eq3A_95 : i32 to vector<64x512xi32>
    %eq3A_97 = arith.cmpi eq, %get3A_9, %eq3A_96 : vector<64x512xi32>
    %slice3A_98 = vector.extract_strided_slice %get3A_4 {offsets = [7, 0, 0], sizes = [1, 64, 512], strides = [1, 1, 1]} : vector<19x64x512xf32> to vector<1x64x512xf32>
    %squeeze3A_99 = vector.shape_cast %slice3A_98 : vector<1x64x512xf32> to vector<64x512xf32>
    %jit3A_100 = arith.constant 0.000000e+00 : f32
    %broadcast_in_dim3A_101 = vector.broadcast %jit3A_100 : f32 to vector<64x512xf32>
    %select_n3A_102 = arith.select %eq3A_97, %squeeze3A_99, %broadcast_in_dim3A_101 : vector<64x512xi1>, vector<64x512xf32>
    %add3A_103 = arith.addf %add3A_90, %select_n3A_102 : vector<64x512xf32>
    %slice3A_104 = vector.extract_strided_slice %get3A_4 {offsets = [8, 0, 0], sizes = [1, 64, 512], strides = [1, 1, 1]} : vector<19x64x512xf32> to vector<1x64x512xf32>
    %squeeze3A_105 = vector.shape_cast %slice3A_104 : vector<1x64x512xf32> to vector<64x512xf32>
    %exp3A_106 = math.exp %squeeze3A_105 : vector<64x512xf32>
    %add3A_107 = arith.addf %add3A_94, %exp3A_106 : vector<64x512xf32>
    %eq3A_108 = arith.constant 8 : i32
    %eq3A_109 = vector.broadcast %eq3A_108 : i32 to vector<64x512xi32>
    %eq3A_110 = arith.cmpi eq, %get3A_9, %eq3A_109 : vector<64x512xi32>
    %slice3A_111 = vector.extract_strided_slice %get3A_4 {offsets = [8, 0, 0], sizes = [1, 64, 512], strides = [1, 1, 1]} : vector<19x64x512xf32> to vector<1x64x512xf32>
    %squeeze3A_112 = vector.shape_cast %slice3A_111 : vector<1x64x512xf32> to vector<64x512xf32>
    %jit3A_113 = arith.constant 0.000000e+00 : f32
    %broadcast_in_dim3A_114 = vector.broadcast %jit3A_113 : f32 to vector<64x512xf32>
    %select_n3A_115 = arith.select %eq3A_110, %squeeze3A_112, %broadcast_in_dim3A_114 : vector<64x512xi1>, vector<64x512xf32>
    %add3A_116 = arith.addf %add3A_103, %select_n3A_115 : vector<64x512xf32>
    %slice3A_117 = vector.extract_strided_slice %get3A_4 {offsets = [9, 0, 0], sizes = [1, 64, 512], strides = [1, 1, 1]} : vector<19x64x512xf32> to vector<1x64x512xf32>
    %squeeze3A_118 = vector.shape_cast %slice3A_117 : vector<1x64x512xf32> to vector<64x512xf32>
    %exp3A_119 = math.exp %squeeze3A_118 : vector<64x512xf32>
    %add3A_120 = arith.addf %add3A_107, %exp3A_119 : vector<64x512xf32>
    %eq3A_121 = arith.constant 9 : i32
    %eq3A_122 = vector.broadcast %eq3A_121 : i32 to vector<64x512xi32>
    %eq3A_123 = arith.cmpi eq, %get3A_9, %eq3A_122 : vector<64x512xi32>
    %slice3A_124 = vector.extract_strided_slice %get3A_4 {offsets = [9, 0, 0], sizes = [1, 64, 512], strides = [1, 1, 1]} : vector<19x64x512xf32> to vector<1x64x512xf32>
    %squeeze3A_125 = vector.shape_cast %slice3A_124 : vector<1x64x512xf32> to vector<64x512xf32>
    %jit3A_126 = arith.constant 0.000000e+00 : f32
    %broadcast_in_dim3A_127 = vector.broadcast %jit3A_126 : f32 to vector<64x512xf32>
    %select_n3A_128 = arith.select %eq3A_123, %squeeze3A_125, %broadcast_in_dim3A_127 : vector<64x512xi1>, vector<64x512xf32>
    %add3A_129 = arith.addf %add3A_116, %select_n3A_128 : vector<64x512xf32>
    %slice3A_130 = vector.extract_strided_slice %get3A_4 {offsets = [10, 0, 0], sizes = [1, 64, 512], strides = [1, 1, 1]} : vector<19x64x512xf32> to vector<1x64x512xf32>
    %squeeze3A_131 = vector.shape_cast %slice3A_130 : vector<1x64x512xf32> to vector<64x512xf32>
    %exp3A_132 = math.exp %squeeze3A_131 : vector<64x512xf32>
    %add3A_133 = arith.addf %add3A_120, %exp3A_132 : vector<64x512xf32>
    %eq3A_134 = arith.constant 10 : i32
    %eq3A_135 = vector.broadcast %eq3A_134 : i32 to vector<64x512xi32>
    %eq3A_136 = arith.cmpi eq, %get3A_9, %eq3A_135 : vector<64x512xi32>
    %slice3A_137 = vector.extract_strided_slice %get3A_4 {offsets = [10, 0, 0], sizes = [1, 64, 512], strides = [1, 1, 1]} : vector<19x64x512xf32> to vector<1x64x512xf32>
    %squeeze3A_138 = vector.shape_cast %slice3A_137 : vector<1x64x512xf32> to vector<64x512xf32>
    %jit3A_139 = arith.constant 0.000000e+00 : f32
    %broadcast_in_dim3A_140 = vector.broadcast %jit3A_139 : f32 to vector<64x512xf32>
    %select_n3A_141 = arith.select %eq3A_136, %squeeze3A_138, %broadcast_in_dim3A_140 : vector<64x512xi1>, vector<64x512xf32>
    %add3A_142 = arith.addf %add3A_129, %select_n3A_141 : vector<64x512xf32>
    %slice3A_143 = vector.extract_strided_slice %get3A_4 {offsets = [11, 0, 0], sizes = [1, 64, 512], strides = [1, 1, 1]} : vector<19x64x512xf32> to vector<1x64x512xf32>
    %squeeze3A_144 = vector.shape_cast %slice3A_143 : vector<1x64x512xf32> to vector<64x512xf32>
    %exp3A_145 = math.exp %squeeze3A_144 : vector<64x512xf32>
    %add3A_146 = arith.addf %add3A_133, %exp3A_145 : vector<64x512xf32>
    %eq3A_147 = arith.constant 11 : i32
    %eq3A_148 = vector.broadcast %eq3A_147 : i32 to vector<64x512xi32>
    %eq3A_149 = arith.cmpi eq, %get3A_9, %eq3A_148 : vector<64x512xi32>
    %slice3A_150 = vector.extract_strided_slice %get3A_4 {offsets = [11, 0, 0], sizes = [1, 64, 512], strides = [1, 1, 1]} : vector<19x64x512xf32> to vector<1x64x512xf32>
    %squeeze3A_151 = vector.shape_cast %slice3A_150 : vector<1x64x512xf32> to vector<64x512xf32>
    %jit3A_152 = arith.constant 0.000000e+00 : f32
    %broadcast_in_dim3A_153 = vector.broadcast %jit3A_152 : f32 to vector<64x512xf32>
    %select_n3A_154 = arith.select %eq3A_149, %squeeze3A_151, %broadcast_in_dim3A_153 : vector<64x512xi1>, vector<64x512xf32>
    %add3A_155 = arith.addf %add3A_142, %select_n3A_154 : vector<64x512xf32>
    %slice3A_156 = vector.extract_strided_slice %get3A_4 {offsets = [12, 0, 0], sizes = [1, 64, 512], strides = [1, 1, 1]} : vector<19x64x512xf32> to vector<1x64x512xf32>
    %squeeze3A_157 = vector.shape_cast %slice3A_156 : vector<1x64x512xf32> to vector<64x512xf32>
    %exp3A_158 = math.exp %squeeze3A_157 : vector<64x512xf32>
    %add3A_159 = arith.addf %add3A_146, %exp3A_158 : vector<64x512xf32>
    %eq3A_160 = arith.constant 12 : i32
    %eq3A_161 = vector.broadcast %eq3A_160 : i32 to vector<64x512xi32>
    %eq3A_162 = arith.cmpi eq, %get3A_9, %eq3A_161 : vector<64x512xi32>
    %slice3A_163 = vector.extract_strided_slice %get3A_4 {offsets = [12, 0, 0], sizes = [1, 64, 512], strides = [1, 1, 1]} : vector<19x64x512xf32> to vector<1x64x512xf32>
    %squeeze3A_164 = vector.shape_cast %slice3A_163 : vector<1x64x512xf32> to vector<64x512xf32>
    %jit3A_165 = arith.constant 0.000000e+00 : f32
    %broadcast_in_dim3A_166 = vector.broadcast %jit3A_165 : f32 to vector<64x512xf32>
    %select_n3A_167 = arith.select %eq3A_162, %squeeze3A_164, %broadcast_in_dim3A_166 : vector<64x512xi1>, vector<64x512xf32>
    %add3A_168 = arith.addf %add3A_155, %select_n3A_167 : vector<64x512xf32>
    %slice3A_169 = vector.extract_strided_slice %get3A_4 {offsets = [13, 0, 0], sizes = [1, 64, 512], strides = [1, 1, 1]} : vector<19x64x512xf32> to vector<1x64x512xf32>
    %squeeze3A_170 = vector.shape_cast %slice3A_169 : vector<1x64x512xf32> to vector<64x512xf32>
    %exp3A_171 = math.exp %squeeze3A_170 : vector<64x512xf32>
    %add3A_172 = arith.addf %add3A_159, %exp3A_171 : vector<64x512xf32>
    %eq3A_173 = arith.constant 13 : i32
    %eq3A_174 = vector.broadcast %eq3A_173 : i32 to vector<64x512xi32>
    %eq3A_175 = arith.cmpi eq, %get3A_9, %eq3A_174 : vector<64x512xi32>
    %slice3A_176 = vector.extract_strided_slice %get3A_4 {offsets = [13, 0, 0], sizes = [1, 64, 512], strides = [1, 1, 1]} : vector<19x64x512xf32> to vector<1x64x512xf32>
    %squeeze3A_177 = vector.shape_cast %slice3A_176 : vector<1x64x512xf32> to vector<64x512xf32>
    %jit3A_178 = arith.constant 0.000000e+00 : f32
    %broadcast_in_dim3A_179 = vector.broadcast %jit3A_178 : f32 to vector<64x512xf32>
    %select_n3A_180 = arith.select %eq3A_175, %squeeze3A_177, %broadcast_in_dim3A_179 : vector<64x512xi1>, vector<64x512xf32>
    %add3A_181 = arith.addf %add3A_168, %select_n3A_180 : vector<64x512xf32>
    %slice3A_182 = vector.extract_strided_slice %get3A_4 {offsets = [14, 0, 0], sizes = [1, 64, 512], strides = [1, 1, 1]} : vector<19x64x512xf32> to vector<1x64x512xf32>
    %squeeze3A_183 = vector.shape_cast %slice3A_182 : vector<1x64x512xf32> to vector<64x512xf32>
    %exp3A_184 = math.exp %squeeze3A_183 : vector<64x512xf32>
    %add3A_185 = arith.addf %add3A_172, %exp3A_184 : vector<64x512xf32>
    %eq3A_186 = arith.constant 14 : i32
    %eq3A_187 = vector.broadcast %eq3A_186 : i32 to vector<64x512xi32>
    %eq3A_188 = arith.cmpi eq, %get3A_9, %eq3A_187 : vector<64x512xi32>
    %slice3A_189 = vector.extract_strided_slice %get3A_4 {offsets = [14, 0, 0], sizes = [1, 64, 512], strides = [1, 1, 1]} : vector<19x64x512xf32> to vector<1x64x512xf32>
    %squeeze3A_190 = vector.shape_cast %slice3A_189 : vector<1x64x512xf32> to vector<64x512xf32>
    %jit3A_191 = arith.constant 0.000000e+00 : f32
    %broadcast_in_dim3A_192 = vector.broadcast %jit3A_191 : f32 to vector<64x512xf32>
    %select_n3A_193 = arith.select %eq3A_188, %squeeze3A_190, %broadcast_in_dim3A_192 : vector<64x512xi1>, vector<64x512xf32>
    %add3A_194 = arith.addf %add3A_181, %select_n3A_193 : vector<64x512xf32>
    %slice3A_195 = vector.extract_strided_slice %get3A_4 {offsets = [15, 0, 0], sizes = [1, 64, 512], strides = [1, 1, 1]} : vector<19x64x512xf32> to vector<1x64x512xf32>
    %squeeze3A_196 = vector.shape_cast %slice3A_195 : vector<1x64x512xf32> to vector<64x512xf32>
    %exp3A_197 = math.exp %squeeze3A_196 : vector<64x512xf32>
    %add3A_198 = arith.addf %add3A_185, %exp3A_197 : vector<64x512xf32>
    %eq3A_199 = arith.constant 15 : i32
    %eq3A_200 = vector.broadcast %eq3A_199 : i32 to vector<64x512xi32>
    %eq3A_201 = arith.cmpi eq, %get3A_9, %eq3A_200 : vector<64x512xi32>
    %slice3A_202 = vector.extract_strided_slice %get3A_4 {offsets = [15, 0, 0], sizes = [1, 64, 512], strides = [1, 1, 1]} : vector<19x64x512xf32> to vector<1x64x512xf32>
    %squeeze3A_203 = vector.shape_cast %slice3A_202 : vector<1x64x512xf32> to vector<64x512xf32>
    %jit3A_204 = arith.constant 0.000000e+00 : f32
    %broadcast_in_dim3A_205 = vector.broadcast %jit3A_204 : f32 to vector<64x512xf32>
    %select_n3A_206 = arith.select %eq3A_201, %squeeze3A_203, %broadcast_in_dim3A_205 : vector<64x512xi1>, vector<64x512xf32>
    %add3A_207 = arith.addf %add3A_194, %select_n3A_206 : vector<64x512xf32>
    %slice3A_208 = vector.extract_strided_slice %get3A_4 {offsets = [16, 0, 0], sizes = [1, 64, 512], strides = [1, 1, 1]} : vector<19x64x512xf32> to vector<1x64x512xf32>
    %squeeze3A_209 = vector.shape_cast %slice3A_208 : vector<1x64x512xf32> to vector<64x512xf32>
    %exp3A_210 = math.exp %squeeze3A_209 : vector<64x512xf32>
    %add3A_211 = arith.addf %add3A_198, %exp3A_210 : vector<64x512xf32>
    %eq3A_212 = arith.constant 16 : i32
    %eq3A_213 = vector.broadcast %eq3A_212 : i32 to vector<64x512xi32>
    %eq3A_214 = arith.cmpi eq, %get3A_9, %eq3A_213 : vector<64x512xi32>
    %slice3A_215 = vector.extract_strided_slice %get3A_4 {offsets = [16, 0, 0], sizes = [1, 64, 512], strides = [1, 1, 1]} : vector<19x64x512xf32> to vector<1x64x512xf32>
    %squeeze3A_216 = vector.shape_cast %slice3A_215 : vector<1x64x512xf32> to vector<64x512xf32>
    %jit3A_217 = arith.constant 0.000000e+00 : f32
    %broadcast_in_dim3A_218 = vector.broadcast %jit3A_217 : f32 to vector<64x512xf32>
    %select_n3A_219 = arith.select %eq3A_214, %squeeze3A_216, %broadcast_in_dim3A_218 : vector<64x512xi1>, vector<64x512xf32>
    %add3A_220 = arith.addf %add3A_207, %select_n3A_219 : vector<64x512xf32>
    %slice3A_221 = vector.extract_strided_slice %get3A_4 {offsets = [17, 0, 0], sizes = [1, 64, 512], strides = [1, 1, 1]} : vector<19x64x512xf32> to vector<1x64x512xf32>
    %squeeze3A_222 = vector.shape_cast %slice3A_221 : vector<1x64x512xf32> to vector<64x512xf32>
    %exp3A_223 = math.exp %squeeze3A_222 : vector<64x512xf32>
    %add3A_224 = arith.addf %add3A_211, %exp3A_223 : vector<64x512xf32>
    %eq3A_225 = arith.constant 17 : i32
    %eq3A_226 = vector.broadcast %eq3A_225 : i32 to vector<64x512xi32>
    %eq3A_227 = arith.cmpi eq, %get3A_9, %eq3A_226 : vector<64x512xi32>
    %slice3A_228 = vector.extract_strided_slice %get3A_4 {offsets = [17, 0, 0], sizes = [1, 64, 512], strides = [1, 1, 1]} : vector<19x64x512xf32> to vector<1x64x512xf32>
    %squeeze3A_229 = vector.shape_cast %slice3A_228 : vector<1x64x512xf32> to vector<64x512xf32>
    %jit3A_230 = arith.constant 0.000000e+00 : f32
    %broadcast_in_dim3A_231 = vector.broadcast %jit3A_230 : f32 to vector<64x512xf32>
    %select_n3A_232 = arith.select %eq3A_227, %squeeze3A_229, %broadcast_in_dim3A_231 : vector<64x512xi1>, vector<64x512xf32>
    %add3A_233 = arith.addf %add3A_220, %select_n3A_232 : vector<64x512xf32>
    %slice3A_234 = vector.extract_strided_slice %get3A_4 {offsets = [18, 0, 0], sizes = [1, 64, 512], strides = [1, 1, 1]} : vector<19x64x512xf32> to vector<1x64x512xf32>
    %squeeze3A_235 = vector.shape_cast %slice3A_234 : vector<1x64x512xf32> to vector<64x512xf32>
    %exp3A_236 = math.exp %squeeze3A_235 : vector<64x512xf32>
    %add3A_237 = arith.addf %add3A_224, %exp3A_236 : vector<64x512xf32>
    %eq3A_238 = arith.constant 18 : i32
    %eq3A_239 = vector.broadcast %eq3A_238 : i32 to vector<64x512xi32>
    %eq3A_240 = arith.cmpi eq, %get3A_9, %eq3A_239 : vector<64x512xi32>
    %slice3A_241 = vector.extract_strided_slice %get3A_4 {offsets = [18, 0, 0], sizes = [1, 64, 512], strides = [1, 1, 1]} : vector<19x64x512xf32> to vector<1x64x512xf32>
    %squeeze3A_242 = vector.shape_cast %slice3A_241 : vector<1x64x512xf32> to vector<64x512xf32>
    %jit3A_243 = arith.constant 0.000000e+00 : f32
    %broadcast_in_dim3A_244 = vector.broadcast %jit3A_243 : f32 to vector<64x512xf32>
    %select_n3A_245 = arith.select %eq3A_240, %squeeze3A_242, %broadcast_in_dim3A_244 : vector<64x512xi1>, vector<64x512xf32>
    %add3A_246 = arith.addf %add3A_233, %select_n3A_245 : vector<64x512xf32>
    %log3A = math.log %add3A_237 : vector<64x512xf32>
    %sub3A = arith.subf %log3A, %add3A_246 : vector<64x512xf32>
    %reduce_sum3A = vector.shape_cast %sub3A : vector<64x512xf32> to vector<1x64x512xf32>
    %reduce_sum3A_247 = arith.constant dense<0.000000e+00> : vector<1xf32>
    %reduce_sum3A_248 = vector.multi_reduction <add>, %reduce_sum3A, %reduce_sum3A_247 [1, 2] : vector<1x64x512xf32> to vector<1xf32>
    %reduce_sum3A_249 = vector.shape_cast %reduce_sum3A_248 : vector<1xf32> to vector<1x1x1xf32>
    %reduce_sum3A_250 = vector.extract %reduce_sum3A_249[0, 0, 0] : f32 from vector<1x1x1xf32>
    %swap3A = arith.index_cast %arg0 : i32 to index
    %swap3A_251 = arith.index_cast %arg1 : i32 to index
    %swap3A_252 = memref.load %arg4[%swap3A, %swap3A_251] : memref<5x8xf32, #tpu.memory_space<smem>>
    memref.store %reduce_sum3A_250, %arg4[%swap3A, %swap3A_251] : memref<5x8xf32, #tpu.memory_space<smem>>
    %reduce_min3A = vector.shape_cast %sub3A : vector<64x512xf32> to vector<1x64x512xf32>
    %reduce_min3A_253 = arith.constant dense<0x7F800000> : vector<1xf32>
    %reduce_min3A_254 = vector.multi_reduction <minimumf>, %reduce_min3A, %reduce_min3A_253 [1, 2] : vector<1x64x512xf32> to vector<1xf32>
    %reduce_min3A_255 = vector.shape_cast %reduce_min3A_254 : vector<1xf32> to vector<1x1x1xf32>
    %reduce_min3A_256 = vector.extract %reduce_min3A_255[0, 0, 0] : f32 from vector<1x1x1xf32>
    %swap3A_257 = arith.index_cast %arg0 : i32 to index
    %swap3A_258 = arith.index_cast %arg1 : i32 to index
    %swap3A_259 = memref.load %arg5[%swap3A_257, %swap3A_258] : memref<5x8xf32, #tpu.memory_space<smem>>
    memref.store %reduce_min3A_256, %arg5[%swap3A_257, %swap3A_258] : memref<5x8xf32, #tpu.memory_space<smem>>
    return
  }
  func.func @transform_0(%arg0: i32, %arg1: i32) -> (i32, i32, i32, i32) {
    %add3A = arith.constant 3 : i32
    %add3A_0 = arith.addi %add3A, %arg0 : i32
    %c0_i32 = arith.constant 0 : i32
    %c0_i32_1 = arith.constant 0 : i32
    %c0_i32_2 = arith.constant 0 : i32
    return %add3A_0, %c0_i32, %arg1, %c0_i32_1 : i32, i32, i32, i32
  }
  func.func @transform_1(%arg0: i32, %arg1: i32) -> (i32, i32, i32) {
    %add3A = arith.constant 3 : i32
    %add3A_0 = arith.addi %add3A, %arg0 : i32
    %c0_i32 = arith.constant 0 : i32
    %c0_i32_1 = arith.constant 0 : i32
    return %add3A_0, %arg1, %c0_i32 : i32, i32, i32
  }
  func.func @transform_2(%arg0: i32, %arg1: i32) -> (i32, i32) {
    %c0_i32 = arith.constant 0 : i32
    %c0_i32_0 = arith.constant 0 : i32
    %c0_i32_1 = arith.constant 0 : i32
    return %c0_i32, %c0_i32_0 : i32, i32
  }
  func.func @transform_3(%arg0: i32, %arg1: i32) -> (i32, i32) {
    %c0_i32 = arith.constant 0 : i32
    %c0_i32_0 = arith.constant 0 : i32
    %c0_i32_1 = arith.constant 0 : i32
    return %c0_i32, %c0_i32_0 : i32, i32
  }
}

</mosaic_0001>

<sc_bundles>
// kernel: kernel.4.cloned.1.call-start
scs
__scs_entry_jumppad:
0x0: {  	(pc) =	sbr.rel $0x88, $3  }
0x1: {  	(tag) =	ssettag $0x0;
	lr =	simm.s32 $0x1  }
0x2: {  	[smem:$0x3F9F] =	sst lr;
	_ =	strace $0xD0000000  }
0x3: {  	_ = 	snop  }
0x4: {  	_ = 	snop  }
0x5: {  	_ = 	snop  }
0x6: {  	_ = 	snop  }
0x7: {  	_ = 	snop  }
__scs_overlays_trampoline_lowered:
0x8: {  	[smem:$0x3FAE] =	sst s0  }
0x9: {  	[smem:$0x3FAF] =	sst s1  }
0xa: {  	[smem:$0x3FB0] =	sst s2  }
0xb: {  	[smem:$0x3FB1] =	sst s3  }
0xc: {  	[smem:$0x3FB2] =	sst s4  }
0xd: {  	[smem:$0x3FB3] =	sst s5  }
0xe: {  	[smem:$0x3FB4] =	sst s6  }
0xf: {  	[smem:$0x3FB5] =	sst s7  }
0x10: {  	[smem:$0x3FB6] =	sst s8  }
0x11: {  	[smem:$0x3FB7] =	sst s9;
	s0 =	simm.s32 @!p0 $0x0  }
0x12: {  	s1 =	sld [smem:$0x3F9D];
	s0 =	simm.s32 @p0 $0x1  }
0x13: {  	[smem:$0x3FB8] =	sst s0;
	s0 =	simm.s32 @!p1 $0x0  }
0x14: {  	s2 =	sld [smem:$0x3F9C];
	s0 =	simm.s32 @p1 $0x1  }
0x15: {  	[smem:$0x3FB9] =	sst s0;
	s0 =	simm.s32 @!p2 $0x0  }
0x16: {  	s3 =	sld [smem:$0x3FDB];
	s0 =	simm.s32 @p2 $0x1  }
0x17: {  	s4 =	simm.s32 $0x1BF5;
	[smem:$0x3FBB] =	sst s0  }
0x18: {  	s0 =	sld [smem:$0x3F9E];
	_ =	swait.ge [sflag:s4], $0x0  }
0x19: {  	s7 =	sld [smem:$0x3F9F]  }
0x1a: {  	s8 =	sadd.s32 $0xFFFFE003, lr  }
0x1b: {  	s9 =	sadd.s32 $0xFFFFFEF7, lr;
	s5 =	simm.s32 $0xFFFFFFFF;
	p2 =	slt.u32 s8, $0xFFFFF086  }
0x1c: {  	p1 =	slt.u32 s9, $0xF7A;
	s5 =	simm.s32 @!p2 $0x0  }
0x1d: {  	s5 =	simm.s32 @p1 $0x1;
	p0 =	seq.s32 s7, s2  }
0x1e: {  	s7 =	smul.u32 @!p0 $0xF7A, s2;
	p2 =	seq.s32 @!p0 s5, $0x0  }
0x1f: {  	s9 =	smul.u32 $0xF7A, s1;
	s8 =	simm.s32 @!p0 $0x1BF5;
	p2 =	por !p2, p0  }
0x20: {  	[sflag:s8] =	ssyncset.s32 @!p0 $0xFFFFF086;
	s6 =	sadd.s32 @!p0 s3, s7;
	s7 =	simm.s32 @!p0 $0x108  }
0x21: {  	s3 =	sadd.s32 s3, s9;
	s6 =	sadd.s32 @!p0 $0x88, s6;
	s7 =	simm.s32 @p2 $0x1082  }
0x22: {  	[simem:s7], [sflag:s8] =	dma.local @!p0 [hbm:s6], $0xF7A  }
0x23: {  	s9 =	sor.u32 $0xD0000000, s2;
	s6 =	simm.s32 $0x108;
	_ =	swait.ge @!p0 [sflag:s8], $0x0  }
0x24: {  	s3 =	sadd.s32 $0x88, s3;
	s6 =	simm.s32 @!p1 $0x1082;
	[sflag:s4] =	ssyncset.s32 $0xFFFFF086  }
0x25: {  	[simem:s6], [sflag:s4] =	dma.local [hbm:s3], $0xF7A  }
0x26: {  	[smem:$0x3F9F] =	sst s1;
	(tag) =	ssettag s2;
	_ =	strace s9  }
0x27: {  	s1 =	sld [smem:$0x3FAF]  }
0x28: {  	s2 =	sld [smem:$0x3FB0]  }
0x29: {  	s4 =	sld [smem:$0x3FB2]  }
0x2a: {  	p0 =	seq.s32 s5, $0x0;
	s5 =	sld [smem:$0x3FB3]  }
0x2b: {  	s6 =	sld [smem:$0x3FB4]  }
0x2c: {  	s7 =	sld [smem:$0x3FB5]  }
0x2d: {  	s3 =	simm.s32 $0x108;
	s8 =	sld [smem:$0x3FB6]  }
0x2e: {  	s3 =	simm.s32 @!p0 $0x1082;
	s9 =	sld [smem:$0x3FB7]  }
0x2f: {  	lr =	sadd.s32 s0, s3;
	s0 =	sld [smem:$0x3FAE]  }
0x30: {  	s3 =	sld [smem:$0x3FB1]  }
0x31: {  	[smem:$0x3FBA] =	sst s10  }
0x32: {  	s10 =	sld [smem:$0x3FB8];
	_ =	sdelay $0x3  }
0x33: {  	p0 =	seq.s32 s10, $0x1;
	s10 =	sld [smem:$0x3FBA];
	_ =	sdelay $0x3  }
0x34: {  	[smem:$0x3FBA] =	sst s10  }
0x35: {  	s10 =	sld [smem:$0x3FB9];
	_ =	sdelay $0x3  }
0x36: {  	p1 =	seq.s32 s10, $0x1;
	s10 =	sld [smem:$0x3FBA];
	_ =	sdelay $0x3  }
0x37: {  	[smem:$0x3FBA] =	sst s10  }
0x38: {  	s10 =	sld [smem:$0x3FBB]  }
0x39: {  	_ = 	snop;
	(pc) =	sbr.ind lr, $3  }
0x3a: {  	_ = 	snop  }
0x3b: {  	_ = 	snop  }
0x3c: {  	p2 =	seq.s32 s10, $0x1;
	s10 =	sld [smem:$0x3FBA]  }
0x3d: {  	_ =	shalt  }
0x3e: {  	_ =	shalt  }
0x3f: {  	_ =	shalt  }
0x40: {  	_ =	shalt  }
0x41: {  	_ =	shalt  }
0x42: {  	_ =	shalt  }
0x43: {  	_ =	shalt  }
0x44: {  	_ =	shalt  }
0x45: {  	_ =	shalt  }
0x46: {  	_ =	shalt  }
0x47: {  	_ =	shalt  }
0x48: {  	_ =	shalt  }
0x49: {  	_ =	shalt  }
0x4a: {  	_ =	shalt  }
0x4b: {  	_ =	shalt  }
0x4c: {  	_ =	shalt  }
0x4d: {  	_ =	shalt  }
0x4e: {  	_ =	shalt  }
0x4f: {  	_ =	shalt  }
0x50: {  	_ =	shalt  }
0x51: {  	_ =	shalt  }
0x52: {  	_ =	shalt  }
0x53: {  	_ =	shalt  }
0x54: {  	_ =	shalt  }
0x55: {  	_ =	shalt  }
0x56: {  	_ =	shalt  }
0x57: {  	_ =	shalt  }
0x58: {  	_ =	shalt  }
0x59: {  	_ =	shalt  }
0x5a: {  	_ =	shalt  }
0x5b: {  	_ =	shalt  }
0x5c: {  	_ =	shalt  }
0x5d: {  	_ =	shalt  }
0x5e: {  	_ =	shalt  }
0x5f: {  	_ =	shalt  }
0x60: {  	_ =	shalt  }
0x61: {  	_ =	shalt  }
0x62: {  	_ =	shalt  }
0x63: {  	_ =	shalt  }
0x64: {  	_ =	shalt  }
0x65: {  	_ =	shalt  }
0x66: {  	_ =	shalt  }
0x67: {  	_ =	shalt  }
0x68: {  	_ =	shalt  }
0x69: {  	_ =	shalt  }
0x6a: {  	_ =	shalt  }
0x6b: {  	_ =	shalt  }
0x6c: {  	_ =	shalt  }
0x6d: {  	_ =	shalt  }
0x6e: {  	_ =	shalt  }
0x6f: {  	_ =	shalt  }
0x70: {  	_ =	shalt  }
0x71: {  	_ =	shalt  }
0x72: {  	_ =	shalt  }
0x73: {  	_ =	shalt  }
0x74: {  	_ =	shalt  }
0x75: {  	_ =	shalt  }
0x76: {  	_ =	shalt  }
0x77: {  	_ =	shalt  }
0x78: {  	_ =	shalt  }
0x79: {  	_ =	shalt  }
0x7a: {  	_ =	shalt  }
0x7b: {  	_ =	shalt  }
0x7c: {  	_ =	shalt  }
0x7d: {  	_ =	shalt  }
0x7e: {  	_ =	shalt  }
0x7f: {  	_ =	shalt  }
0x80: {  	_ =	shalt  }
0x81: {  	_ =	shalt  }
0x82: {  	_ =	shalt  }
0x83: {  	_ =	shalt  }
0x84: {  	_ =	shalt  }
0x85: {  	_ =	shalt  }
0x86: {  	_ =	shalt  }
0x87: {  	_ =	shalt  }
.Lfunc_end0:
.L_simem_size_0:
called_computation_lowered:
.L_overlay_start_0:
0x88: {  	s2 =	sld [smem:$0x3FD9]  }
0x89: {  	s3 =	sld [smem:$0x3FFE];
	_ =	sdelay $0x1  }
0x8a: {  	s1 =	srdreg.scid  }
0x8b: {  	s0 =	sand.u32 $0x1, s1  }
0x8c: {  	s17 =	sshll.u32 s0, $0xA;
	s2 =	sadd.s32 s3, s2  }
0x8d: {  	s2 =	sadd.s32 s2, s17  }
0x8e: {  	[smem:$0x3FC6] =	sst s2  }
0x8f: {  	_ = 	snop  }
0x90: {  	s2 =	sld [smem:$0x3FC9]  }
0x91: {  	s18 =	sld [smem:$0x3FC8];
	(tm) =	ssettm $0x1  }
0x92: {  	s4 =	sld [smem:$0x3FFB];
	_ =	sdelay $0x3  }
0x93: {  	_ =	strace s4  }
0x94: {  	s4 =	sld [smem:$0x3FFC];
	_ =	sdelay $0x3  }
0x95: {  	_ =	strace s4  }
0x96: {  	s4 =	sld [smem:$0x3FFD];
	_ =	sdelay $0x3  }
0x97: {  	_ =	strace s4  }
0x98: {  	_ =	strace $0x8FFFFFFF  }
0x99: {  	s19 =	sld [smem:$0x3FDB];
	_ =	sdelay $0x1  }
0x9a: {  	s5 =	simm.s32 $_scs_section_size  }
0x9b: {  	s6 =	simm.s32 $_size__tile_overlayer_lowered;
	s7 =	simm.s32 $_tile_overlayer_lowered  }
0x9c: {  	s22 =	simm.s32 $0x1BFF;
	s21 =	sshll.u32 s7, $0x1;
	s4 =	sadd.s32 s5, s19  }
0x9d: {  	s8 =	simm.s32 $0x0;
	s20 =	sshll.u32 s6, $0x1;
	s6 =	sadd.s32 s21, s4  }
0x9e: {  	[timem:s8], [sflag:s22] =	dma.local [hbm:s6], s20  }
0x9f: {  	_ =	swait.ge [sflag:s22], s20  }
0xa0: {  	s5 =	ssub.s32 $0x0, s20;
	[sflag:s22] =	ssyncset.done $0x0  }
0xa1: {  	[sflag:s22] =	ssyncadd.s32 s5;
	_ =	sdelay $0x1  }
0xa2: {  	s23 =	simm.s32 $0x1B8B  }
0xa3: {  	_ =	swait.ge [sflag:s23], $0x1  }
0xa4: {  	[sflag:s23] =	ssyncset.done $0x0  }
0xa5: {  	s25 =	simm.s32 $0x1B8E;
	s24 =	sld [smem:$0x3FFE];
	[sflag:s23] =	ssyncadd.s32 $0xFFFFFFFF  }
0xa6: {  	s26 =	simm.s32 $execute0_lowered;
	[smem:$0x3FD2] =	sst s25  }
0xa7: {  	s6 =	sshll.u32 s26, $0x1;
	_ =	strace $0x80000046;
	[dreg:$0x1] =	wrdreg $0xFFFFFFFF  }
0xa8: {  	s28 =	simm.s32 $_size_execute0_lowered;
	s4 =	sadd.s32 s4, s6;
	[dreg:$0x0] =	wrdreg $0x0  }
0xa9: {  	s6 =	sshll.u32 s28, $0x1;
	[dreg:$0x2] =	wrdreg s4  }
0xaa: {  	[dreg:$0x3] =	wrdreg s6  }
0xab: {  	[dreg:$0x4] =	wrdreg $0xC0  }
0xac: {  	_ =	task [dreg:s8], $0x5FFFF  }
0xad: {  	[dreg:$0x1] =	wrdreg $0xFFFFFFFF  }
0xae: {  	[dreg:$0x0] =	wrdreg $0x60  }
0xaf: {  	[dreg:$0x2] =	wrdreg s2  }
0xb0: {  	[dreg:$0x3] =	wrdreg s18  }
0xb1: {  	[dreg:$0x4] =	wrdreg s24  }
0xb2: {  	[dreg:$0x5] =	wrdreg $0x9  }
0xb3: {  	_ =	task.clear_ibuf [dreg:s8], $0x6FFFF;
	_ =	strace $0x90000046  }
0xb4: {  	s29 =	simm.s32 $0x9;
	_ =	strace $0x80000048  }
0xb5: {  	_ =	swait.ge [sflag:s29], $0x1  }
0xb6: {  	[sflag:s29] =	ssyncadd.s32 $0xFFFFFFFF  }
0xb7: {  	_ =	strace $0x90000048  }
0xb8: {  	_ =	sfence  }
0xb9: {  	s30 =	sld [smem:$0x0];
	_ =	sdelay $0x2  }
0xba: {  	s31 =	sshll.u32 s1, $0xD;
	s1 =	sshrl.u32 s1, $0x2  }
0xbb: {  	s3 =	sand.u32 $0x4000, s31;
	s1 =	sadd.s32 s1, s30  }
0xbc: {  	s0 =	sor.u32 s3, s0;
	s1 =	sshll.u32 s1, $0x11  }
0xbd: {  	s0 =	sor.u32 s1, s0  }
0xbe: {  	s0 =	sadd.s32 $0x8F2B, s0  }
0xbf: {  	[sflag:s0] =	ssyncadd.remote.s32 $0x1  }
0xc0: {  	_ =	sfence.sel $0xFFFF  }
0xc1: {  	[dreg:$0x0] =	wrdreg $0xFFFFFFFF;
	(pc) =	sbr.abs _section_cstart, $3  }
0xc2: {  	[dreg:$0x1] =	wrdreg $0xFFFFFFFF  }
0xc3: {  	_ =	task.clear_ibuf [dreg:s8], $0x2FFFF;
	_ =	strace $0x9FFFFFFF  }
0xc4: {  	(tm) =	ssettm $0x7FFFFFFF  }
0xc5: {  	_ =	shalt  }
tec
execute0_lowered:
.L_overlay_start_1:
0x0: {  	(tag) =	ssettag $0x1  }
0x1: {  	s4 =	rddreg [dreg:$0x0]  }
0x2: {  	s6 =	rddreg [dreg:$0x1]  }
0x3: {  	s0 =	rddreg [dreg:$0x2]  }
0x4: {  	s1 =	srdreg.scid;
	s3 =	stileid.u32;
	s15 =	simm.s32 $0x0  }
0x5: {  	s1 =	sand.u32 $0x1, s1;
	s3 =	sshll.u32 s3, $0x1;
	[smem:$0x7FF] =	sst s15  }
0x6: {  	s29 =	sadd.s32 $0x40, s4;
	s30 =	sadd.s32 $0x40, s6;
	s2 =	ssub.s32 $0x2, s1  }
0x7: {  	s1 =	sor.u32 s1, s3;
	_ =	strace $0x80000047;
	[dreg:$0x8] =	wrdreg s29  }
0x8: {  	[dreg:$0x9] =	wrdreg s30;
	s3 =	sshll.u32 s1, $0xA;
	s26 =	sshll.u32 s1, $0x3  }
0x9: {  	s1 =	smul.u32 $0x60, s1;
	[dreg:$0x5] =	wrdreg s26;
	s28 =	sadd.s32 s4, s3  }
0xa: {  	s5 =	sshrl.u32 s2, $0x1;
	s3 =	sadd.s32 s6, s3;
	[dreg:$0x6] =	wrdreg s28  }
0xb: {  	s2 =	ssub.s32 s2, s5;
	[dreg:$0x7] =	wrdreg s3;
	s0 =	sadd.s32 s0, s1  }
0xc: {  	s31 =	smax.u32 s2, $0x1;
	[dreg:$0xa] =	wrdreg s0  }
0xd: {  	v0 =	vlaneseq.u32;
	s6 =	simm.s32 $0x2600;
	s2 =	simm.s32 $0x0;
	[dreg:$0xb] =	wrdreg s31  }
.LBB2_1:
0xe: {  	[dreg:$0xc] =	wrdreg s2  }
0xf: {  	s0 =	rddreg [dreg:$0x6];
	s1 =	simm.s32 $0x200;
	s29 =	simm.s32 $0x40000  }
0x10: {  	[tilespmem:s15], [sflag:$0x1] =	stream.strided.gather [hbm4b:s0+s1], $0x2600, s29, s1, $0x38;
	[tilespmem:$0x5300] =	vst v63  }
0x11: {  	s30 =	rddreg [dreg:$0x7];
	s31 =	simm.s32 $0x4C00;
	s14 =	simm.s32 $0x0  }
0x12: {  	v1 =	vimm.f32 $0.0e+00;
	v2 =	vimm.f32 $1.000000020e+30;
	[tilespmem:s31], [sflag:$0x1] =	stream.linear.gather [hbm4b:s30+s15], $0x200, $0x38;
	[tilespmem:$0x5300] =	vst v63  }
.LBB2_2:
0x13: {  	s0 =	sshrl.u32 s14, $0x3;
	s1 =	sand.u32 $0x4, s14;
	s3 =	rddreg [dreg:$0x5]  }
0x14: {  	s17 =	sshll.u32 s14, $0xA;
	s2 =	smul.u32 $0x4C0000, s0;
	s1 =	sor.u32 s3, s1  }
0x15: {  	s4 =	rddreg [dreg:$0x8];
	s18 =	simm.s32 $0x200;
	s1 =	sshll.u32 s1, $0xA  }
0x16: {  	s3 =	sand.u32 $0xC00, s17;
	s0 =	sshll.u32 s0, $0x12;
	s2 =	sor.u32 s2, s1  }
0x17: {  	s5 =	simm.s32 $0x40000;
	s0 =	sor.u32 s0, s1;
	s2 =	sor.u32 s3, s2  }
0x18: {  	s19 =	rddreg [dreg:$0x9];
	s0 =	sor.u32 s3, s0;
	s2 =	sshrl.u32 s2, $0x3  }
0x19: {  	s20 =	simm.s32 $0x0;
	s0 =	sshrl.u32 s0, $0x3;
	s2 =	sadd.s32 s2, s4  }
0x1a: {  	[tilespmem:s6], [sflag:$0x2] =	stream.strided.gather [hbm4b:s2+s18], $0x2600, s5, s18, $0x38;
	[tilespmem:$0x5300] =	vst v63  }
0x1b: {  	s21 =	simm.s32 $0x4E00;
	s22 =	simm.s32 $0x1;
	s0 =	sadd.s32 s0, s19  }
0x1c: {  	[tilespmem:s21], [sflag:$0x2] =	stream.linear.gather [hbm4b:s0+s20], $0x200, $0x38;
	[tilespmem:$0x5300] =	vst v63  }
0x1d: {  	_ =	swait.ge [sflag:s22], $0x2600  }
0x1e: {  	[sflag:s22] =	ssyncset.done $0x0  }
0x1f: {  	[sflag:s22] =	ssyncadd.s32 $0xFFFFDA00  }
0x20: {  	s23 =	simm.s32 $0x0;
	_ =	swait.ge [sflag:s22], $0x200  }
0x21: {  	s28 =	sand.u32 $0xFFFFFF80, s23;
	s0 =	sand.u32 $0x60, s20;
	[sflag:s22] =	ssyncset.done $0x0  }
0x22: {  	s2 =	sor.u32 s0, s28;
	[sflag:s22] =	ssyncadd.s32 $0xFFFFFE00  }
0x23: {  	s24 =	sadd.s32 $0x400, s28;
	v6 =	vld [tilespmem:s2+$0x0]  }
0x24: {  	s26 =	sadd.s32 $0x1C00, s28;
	s25 =	sor.u32 s0, s24;
	v4 =	vld [tilespmem:s2+$0x4C00]  }
0x25: {  	s29 =	sadd.s32 $0x600, s28;
	s30 =	sor.u32 s0, s26;
	v7 =	vld [tilespmem:s25+$0x0]  }
0x26: {  	s6 =	sadd.s32 $0xE00, s28;
	s7 =	sor.u32 s0, s29;
	v5 =	vld [tilespmem:s30+$0x0]  }
0x27: {  	s4 =	sadd.s32 $0x1600, s28;
	s12 =	sor.u32 s0, s6;
	v8 =	vld [tilespmem:s7+$0x0];
	s30 =	sor.u32 $0x10, s0  }
0x28: {  	s10 =	sadd.s32 $0x800, s28;
	v12 =	vld [tilespmem:s12+$0x0];
	s9 =	sor.u32 s30, s4  }
0x29: {  	s11 =	sor.u32 s30, s10;
	v3 =	vld [tilespmem:s9+$0x0]  }
0x2a: {  	s8 =	sor.u32 s30, s29;
	v11 =	vld [tilespmem:s11+$0x0]  }
0x2b: {  	v10 =	vld [tilespmem:s8+$0x0];
	s11 =	sadd.s32 $0x200, s28;
	s9 =	sor.u32 s28, s30  }
0x2c: {  	s13 =	sor.u32 s0, s11;
	v13 =	vld [tilespmem:s9+$0x0]  }
0x2d: {  	s3 =	sor.u32 s30, s24;
	s8 =	sadd.s32 $0xC00, s28;
	v14 =	vld [tilespmem:s13+$0x0];
	v6 =	vmul.f32 $1.442695020e+00, v6  }
0x2e: {  	v15 =	vld [tilespmem:s3+$0x0];
	s12 =	sor.u32 s0, s8;
	v8 =	vmul.f32 $1.442695020e+00, v8  }
0x2f: {  	s5 =	sadd.s32 $0xA00, s28;
	s16 =	sor.u32 s0, s4;
	(erf) = vpow2.f32 v6;
	v6 =	vmul.f32 $1.442695020e+00, v11;
	v11 =	vld [tilespmem:s12+$0x0]  }
0x30: {  	s17 =	sor.u32 s0, s5;
	v16 =	vld [tilespmem:s16+$0x0];
	(erf) = vpow2.f32 v8;
	v8 =	vmul.f32 $1.442695020e+00, v12  }
0x31: {  	s18 =	sadd.s32 $0x1000, s28;
	s19 =	sor.u32 s0, s10;
	v12 =	vmul.f32 $1.442695020e+00, v13;
	(erf) = vpow2.f32 v6;
	v6 =	vld [tilespmem:s17+$0x0]  }
0x32: {  	s20 =	sor.u32 s30, s18;
	v13 =	vld [tilespmem:s19+$0x0];
	(erf) = vpow2.f32 v8;
	v8 =	vmul.f32 $1.442695020e+00, v14  }
0x33: {  	s21 =	sor.u32 s30, s11;
	v14 =	vmul.f32 $1.442695020e+00, v15;
	(erf) = vpow2.f32 v12;
	v12 =	vld [tilespmem:s20+$0x0]  }
0x34: {  	s22 =	sor.u32 s0, s18;
	s3 =	sadd.s32 $0x2200, s28;
	v15 =	vld [tilespmem:s21+$0x0];
	(erf) = vpow2.f32 v8;
	v8 =	vmul.f32 $1.442695020e+00, v11  }
0x35: {  	s7 =	sadd.s32 $0x2400, s28;
	s23 =	sor.u32 s30, s3;
	v7 =	vmul.f32 $1.442695020e+00, v7;
	v11 =	vld [tilespmem:s22+$0x0];
	(erf) = vpow2.f32 v14  }
0x36: {  	s24 =	sor.u32 s0, s7;
	v14 =	vld [tilespmem:s23+$0x0];
	v6 =	vmul.f32 $1.442695020e+00, v6;
	(erf) = vpow2.f32 v8  }
0x37: {  	s1 =	sadd.s32 $0x2000, s28;
	s26 =	sor.u32 s30, s26;
	v8 =	vmul.f32 $1.442695020e+00, v13;
	(erf) = vpow2.f32 v7;
	v7 =	vld [tilespmem:s24+$0x0]  }
0x38: {  	s25 =	sadd.s32 $0x1E00, s28;
	v17 =	vld [tilespmem:s26+$0x0];
	s13 =	sor.u32 s0, s1;
	v13 =	vpop (erf);
	(erf) = vpow2.f32 v6;
	v12 =	vmul.f32 $1.442695020e+00, v12  }
0x39: {  	s2 =	sadd.s32 $0x1800, s28;
	s29 =	sor.u32 s30, s25;
	v19 =	vld [tilespmem:s13+$0x0];
	v15 =	vmul.f32 $1.442695020e+00, v15;
	v18 =	vpop (erf);
	(erf) = vpow2.f32 v8  }
0x3a: {  	s31 =	sor.u32 s0, s2;
	v8 =	vld [tilespmem:s29+$0x0];
	v11 =	vmul.f32 $1.442695020e+00, v11;
	v6 =	vpop (erf);
	(erf) = vpow2.f32 v12  }
0x3b: {  	v9 =	vld [tilespmem:s31+$0x0];
	s31 =	sadd.s32 $0x1200, s28;
	s8 =	sor.u32 s30, s8;
	v14 =	vmul.f32 $1.442695020e+00, v14;
	v20 =	vpop (erf);
	(erf) = vpow2.f32 v15  }
0x3c: {  	s4 =	sor.u32 s0, s31;
	v24 =	vld [tilespmem:s8+$0x0];
	v21 =	vpop (erf);
	v7 =	vmul.f32 $1.442695020e+00, v7;
	(erf) = vpow2.f32 v11  }
0x3d: {  	s21 =	sor.u32 s30, s31;
	v12 =	vld [tilespmem:s4+$0x0];
	v22 =	vpop (erf);
	(erf) = vpow2.f32 v14  }
0x3e: {  	s16 =	sadd.s32 $0x1400, s28;
	v17 =	vmul.f32 $1.442695020e+00, v17;
	v25 =	vld [tilespmem:s21+$0x0];
	v23 =	vpop (erf);
	(erf) = vpow2.f32 v7  }
0x3f: {  	s17 =	sor.u32 s0, s16;
	v15 =	vld [tilespmem:s9+$0x4C00];
	v7 =	vmul.f32 $1.442695020e+00, v8;
	v8 =	vmul.f32 $1.442695020e+00, v19;
	v13 =	vadd.f32 v22, v13;
	v19 =	vpop (erf)  }
0x40: {  	s18 =	sor.u32 s30, s16;
	s19 =	sadd.s32 $0x1A00, s28;
	v11 =	vld [tilespmem:s17+$0x0];
	(erf) = vpow2.f32 v17;
	v22 =	vpop (erf)  }
0x41: {  	s20 =	sor.u32 s0, s19;
	v14 =	vld [tilespmem:s18+$0x0];
	(erf) = vpow2.f32 v7;
	v7 =	vadd.f32 v22, v13  }
0x42: {  	s5 =	sor.u32 s30, s5;
	v9 =	vmul.f32 $1.442695020e+00, v9;
	v12 =	vmul.f32 $1.442695020e+00, v12;
	v17 =	vld [tilespmem:s20+$0x0]  }
0x43: {  	s22 =	sor.u32 s0, s25;
	(erf) = vpow2.f32 v8;
	v8 =	vmul.f32 $1.442695020e+00, v16;
	v16 =	vld [tilespmem:s5+$0x0];
	[dreg:$0xd] =	wrdreg s14;
	v13 =	vpop (erf);
	v18 =	vadd.f32 v18, v7  }
0x44: {  	(erf) = vpow2.f32 v12;
	v12 =	vld [tilespmem:s22+$0x0];
	v22 =	vpop (erf)  }
0x45: {  	v11 =	vmul.f32 $1.442695020e+00, v11;
	(erf) = vpow2.f32 v9;
	v7 =	vpop (erf)  }
0x46: {  	v9 =	vmul.f32 $1.442695020e+00, v10;
	(erf) = vpow2.f32 v8;
	v10 =	vadd.f32 v22, v18;
	v27 =	vpop (erf)  }
0x47: {  	v18 =	vpop (erf);
	(erf) = vpow2.f32 v11  }
0x48: {  	s23 =	sand.u32 $0x7, s14;
	v13 =	vadd.f32 v13, v10;
	(erf) = vpow2.f32 v9;
	v9 =	vmul.f32 $1.442695020e+00, v16  }
0x49: {  	s24 =	sor.u32 s30, s19;
	[dreg:$0xe] =	wrdreg s23;
	v14 =	vmul.f32 $1.442695020e+00, v14;
	v12 =	vmul.f32 $1.442695020e+00, v12;
	v8 =	vpop (erf)  }
0x4a: {  	s7 =	sor.u32 s30, s7;
	v4 =	vshll.u32 v4, $0x9;
	v26 =	vld [tilespmem:s24+$0x0];
	v11 =	vpop (erf);
	v13 =	vadd.f32 v19, v13  }
0x4b: {  	v4 =	vor.u32 s0, v4;
	s25 =	sor.u32 s30, s6;
	v28 =	vld [tilespmem:s7+$0x0];
	(erf) = vpow2.f32 v14;
	v10 =	vpop (erf)  }
0x4c: {  	s2 =	sor.u32 s30, s2;
	v30 =	vadd.s32 s28, v4;
	v16 =	vld [tilespmem:s25+$0x0];
	(erf) = vpow2.f32 v9;
	v4 =	vadd.f32 v20, v13;
	v9 =	vpop (erf)  }
0x4d: {  	s26 =	simm.s32 $0x20;
	s3 =	sor.u32 s0, s3;
	s24 =	simm.s32 $0x20;
	v29 =	vld [tilespmem:s2+$0x0];
	v14 =	vmul.f32 $1.442695020e+00, v17;
	(erf) = vpow2.f32 v12;
	v12 =	vpop (erf)  }
0x4e: {  	s26 =	sand.u32 $0xFFFFFF80, s26;
	s1 =	sor.u32 s30, s1;
	v22 =	vld [tilespmem:s3+$0x0];
	s25 =	sand.u32 $0x60, s24;
	v19 =	vmul.f32 $1.442695020e+00, v24;
	v13 =	vpop (erf)  }
0x4f: {  	v5 =	vmul.f32 $1.442695020e+00, v5;
	s0 =	sadd.s32 $0xE00, s26;
	s29 =	sor.u32 s25, s26;
	v17 =	vld [tilespmem:s1+$0x0];
	v20 =	vadd.f32 v27, v21;
	(erf) = vpow2.f32 v14;
	v21 =	vpop (erf)  }
0x50: {  	s3 =	sadd.s32 $0x400, s26;
	s14 =	sor.u32 s25, s0;
	v24 =	vld [tilespmem:s29+$0x0];
	(erf) = vpow2.f32 v19;
	v19 =	vmul.f32 $1.442695020e+00, v3;
	v3 =	vadd.f32 v18, v4;
	v4 =	vpop (erf)  }
0x51: {  	s1 =	sor.u32 s25, s3;
	v32 =	vld [tilespmem:s14+$0x0];
	v16 =	vmul.f32 $1.442695020e+00, v16;
	v18 =	vadd.f32 v23, v20;
	v23 =	vpop (erf)  }
0x52: {  	s2 =	sadd.s32 $0x1800, s26;
	v27 =	vld [tilespmem:s1+$0x0];
	(erf) = vpow2.f32 v5;
	v3 =	vadd.f32 v13, v3;
	v13 =	vpop (erf)  }
0x53: {  	s31 =	sadd.s32 $0x1C00, s26;
	s7 =	sor.u32 s25, s2;
	v14 =	vld [tilespmem:s29+$0x4C00];
	v20 =	vmul.f32 $1.442695020e+00, v26;
	(erf) = vpow2.f32 v16;
	v13 =	vadd.f32 v13, v18  }
0x54: {  	s5 =	sor.u32 s25, s31;
	s29 =	sor.u32 $0x10, s25;
	v26 =	vmul.f32 $1.442695020e+00, v29;
	v29 =	vld [tilespmem:s7+$0x0]  }
0x55: {  	v25 =	vmul.f32 $1.442695020e+00, v25;
	s4 =	sadd.s32 $0x600, s26;
	s11 =	sor.u32 s26, s29;
	v5 =	vld [tilespmem:s5+$0x0];
	(erf) = vpow2.f32 v20  }
0x56: {  	s8 =	sadd.s32 $0x1600, s26;
	s6 =	sor.u32 s25, s4;
	v22 =	vmul.f32 $1.442695020e+00, v22;
	v31 =	vld [tilespmem:s11+$0x4C00];
	v3 =	vadd.f32 v23, v3;
	v23 =	vpop (erf);
	(erf) = vpow2.f32 v26  }
0x57: {  	s10 =	sor.u32 s25, s8;
	v24 =	vmul.f32 $1.442695020e+00, v24;
	v16 =	vld [tilespmem:s6+$0x0];
	(erf) = vpow2.f32 v25;
	v6 =	vadd.f32 v6, v13;
	v13 =	vpop (erf)  }
0x58: {  	v15 =	vshll.u32 v15, $0x9;
	s1 =	sor.u32 s29, s4;
	v20 =	vmul.f32 $1.442695020e+00, v28;
	v25 =	vld [tilespmem:s10+$0x0];
	v3 =	vadd.f32 v4, v3;
	v28 =	vpop (erf)  }
0x59: {  	v15 =	vor.u32 s30, v15;
	s9 =	sor.u32 s29, s8;
	v26 =	vld [tilespmem:s1+$0x0];
	s1 =	sadd.s32 $0x800, s26;
	(erf) = vpow2.f32 v24;
	v6 =	vadd.f32 v13, v6;
	v13 =	vpop (erf)  }
0x5a: {  	v18 =	vld [tilespmem:s9+$0x0];
	s12 =	sor.u32 s29, s1;
	v4 =	vadd.s32 s28, v15;
	v21 =	vadd.f32 v21, v3;
	(erf) = vpow2.f32 v22;
	v22 =	vpop (erf)  }
0x5b: {  	v15 =	vld [tilespmem:s12+$0x0];
	v3 =	vor.u32 v0, v30;
	v22 =	vadd.f32 v22, v6;
	v30 =	vpop (erf);
	(erf) = vpow2.f32 v19  }
0x5c: {  	s13 =	sadd.s32 $0x1200, s26;
	v17 =	vmul.f32 $1.442695020e+00, v17;
	s3 =	sor.u32 s29, s3;
	v14 =	vshll.u32 v14, $0x9;
	v24 =	vld [tilespmem:s11+$0x0];
	v13 =	vadd.f32 v13, v21;
	v19 =	vpop (erf)  }
0x5d: {  	s17 =	sadd.s32 $0x1400, s26;
	s16 =	sor.u32 s25, s13;
	v34 =	vmul.f32 $1.442695020e+00, v16;
	v16 =	vmul.f32 $1.442695020e+00, v25;
	v25 =	vld [tilespmem:s3+$0x0];
	v19 =	vadd.f32 v19, v22  }
0x5e: {  	s20 =	sadd.s32 $0x200, s26;
	s8 =	sor.u32 s29, s17;
	v33 =	vor.u32 s25, v14;
	v14 =	vmul.f32 $1.442695020e+00, v26;
	v21 =	vld [tilespmem:s16+$0x0];
	v13 =	vadd.f32 v30, v13;
	v30 =	vpop (erf)  }
0x5f: {  	p0 =	seq.s32 s23, $0x0;
	s19 =	sadd.s32 $0x1000, s26;
	s22 =	sor.u32 s25, s20;
	v6 =	vmul.f32 $1.442695020e+00, v5;
	v5 =	vmul.f32 $1.442695020e+00, v18;
	v18 =	vld [tilespmem:s8+$0x0];
	v35 =	vpop (erf);
	v26 =	vadd.f32 v7, v19  }
0x60: {  	v1 =	vpsel p0, $0x0, v1;
	s21 =	sor.u32 s25, s19;
	v27 =	vmul.f32 $1.442695020e+00, v27;
	v54 =	vpop (erf);
	v19 =	vmul.f32 $1.442695020e+00, v29;
	v29 =	vld [tilespmem:s22+$0x0]  }
0x61: {  	s23 =	sadd.s32 $0xA00, s26;
	s18 =	sor.u32 s25, s17;
	v15 =	vmul.f32 $1.442695020e+00, v15;
	(erf) = vpow2.f32 v20;
	v20 =	vld [tilespmem:s21+$0x0];
	v26 =	vadd.f32 v54, v26  }
0x62: {  	s4 =	sor.u32 s25, s23;
	s10 =	sadd.s32 $0xC00, s26;
	v24 =	vmul.f32 $1.442695020e+00, v24;
	v22 =	vld [tilespmem:s18+$0x0];
	(erf) = vpow2.f32 v34;
	v13 =	vadd.f32 v28, v13;
	v56 =	vpop (erf)  }
0x63: {  	s11 =	sor.u32 s25, s10;
	(erf) = vpow2.f32 v15;
	v15 =	vld [tilespmem:s4+$0x0];
	v28 =	vpop (erf);
	v23 =	vadd.f32 v23, v26;
	v26 =	vmul.f32 $1.442695020e+00, v32  }
0x64: {  	s7 =	sor.u32 s29, s13;
	s3 =	sadd.s32 $0x2200, s26;
	v25 =	vmul.f32 $1.442695020e+00, v25;
	v12 =	vadd.f32 v12, v13;
	v13 =	vld [tilespmem:s11+$0x0];
	(erf) = vpow2.f32 v17;
	v36 =	vpop (erf)  }
0x65: {  	v57 =	vld [tilespmem:s7+$0x0];
	s30 =	sor.u32 s29, s3;
	v17 =	vadd.f32 v36, v23;
	(erf) = vpow2.f32 v26;
	v23 =	vmul.f32 $1.442695020e+00, v29  }
0x66: {  	v2 =	vpsel p0, $0x7149F2CA, v2;
	s1 =	sor.u32 s25, s1;
	v55 =	vld [tilespmem:s30+$0x0];
	v21 =	vmul.f32 $1.442695020e+00, v21;
	(erf) = vpow2.f32 v24  }
0x67: {  	s13 =	sadd.s32 $0x1E00, s26;
	s12 =	sor.u32 s29, s10;
	v58 =	vmul.f32 $1.442695020e+00, v18;
	v12 =	vadd.f32 v28, v12;
	(erf) = vpow2.f32 v23;
	v23 =	vld [tilespmem:s1+$0x0]  }
0x68: {  	s14 =	sor.u32 s25, s13;
	v20 =	vmul.f32 $1.442695020e+00, v20;
	v37 =	vmul.f32 $1.442695020e+00, v22;
	v22 =	vld [tilespmem:s12+$0x0];
	v17 =	vadd.f32 v35, v17  }
0x69: {  	s8 =	sor.u32 s29, s20;
	v28 =	vld [tilespmem:s14+$0x0];
	v15 =	vmul.f32 $1.442695020e+00, v15;
	v11 =	vadd.f32 v11, v12;
	v13 =	vmul.f32 $1.442695020e+00, v13  }
0x6a: {  	s17 =	sadd.s32 $0x2000, s26;
	s5 =	sor.u32 s29, s19;
	v26 =	vld [tilespmem:s8+$0x0];
	v12 =	vmul.f32 $1.442695020e+00, v57;
	(erf) = vpow2.f32 v25;
	v17 =	vadd.f32 v30, v17  }
0x6b: {  	s19 =	sor.u32 s25, s17;
	s16 =	sadd.s32 $0x2400, s26;
	v29 =	vld [tilespmem:s5+$0x0];
	v24 =	vshll.u32 v31, $0x9;
	v25 =	vand.u32 $0x7FFFFF, v11;
	(erf) = vpow2.f32 v13  }
0x6c: {  	s18 =	sor.u32 s29, s16;
	v31 =	vld [tilespmem:s19+$0x0];
	v60 =	vor.u32 $0x3F800000, v25;
	v10 =	vadd.f32 v10, v17;
	v17 =	vmul.f32 $1.442695020e+00, v23  }
0x6d: {  	s20 =	sor.u32 s29, s23;
	v59 =	vpop (erf);
	v18 =	vmul.f32 $1.442695020e+00, v22;
	v30 =	vld [tilespmem:s18+$0x0];
	(erf) = vpow2.f32 v27;
	v23 =	vadd.f32 $1.000000000e+00, v60  }
0x6e: {  	v4 =	vor.u32 v0, v4;
	s21 =	sor.u32 s25, s16;
	v61 =	vpop (erf);
	v22 =	vmul.f32 $1.442695020e+00, v55;
	v13 =	vld [tilespmem:s20+$0x0];
	v25 =	vmul.f32 $1.442695020e+00, v28  }
0x6f: {  	v7 =	vadd.s32 s26, v33;
	s22 =	sor.u32 s29, s31;
	v26 =	vmul.f32 $1.442695020e+00, v26;
	v27 =	vld [tilespmem:s21+$0x0];
	(erf) = vpow2.f32 v15;
	v15 =	vpop (erf)  }
0x70: {  	s3 =	sor.u32 s25, s3;
	v24 =	vor.u32 s29, v24;
	v28 =	vld [tilespmem:s22+$0x0];
	v29 =	vmul.f32 $1.442695020e+00, v29;
	(erf) = vpow2.f32 v17;
	v17 =	vpop (erf)  }
0x71: {  	v38 =	vld [tilespmem:s3+$0x0];
	s23 =	sor.u32 s29, s13;
	v39 =	vmul.f32 $1.442695020e+00, v31;
	v10 =	vadd.f32 v9, v10;
	(erf) = vrcp.f32 v23;
	v23 =	vpop (erf)  }
0x72: {  	s2 =	sor.u32 s29, s2;
	v11 =	vshra.s32 v11, $0x17;
	v9 =	vmul.f32 $1.442695020e+00, v30;
	v30 =	vld [tilespmem:s23+$0x0];
	(erf) = vpow2.f32 v29;
	v40 =	vpop (erf)  }
0x73: {  	v31 =	vmul.f32 $1.442695020e+00, v13;
	v29 =	vld [tilespmem:s2+$0x0];
	v10 =	vadd.f32 v17, v10;
	(erf) = vpow2.f32 v26;
	v13 =	vpop (erf)  }
0x74: {  	v11 =	vadd.s32 $0xFFFFFF81, v11;
	v26 =	vmul.f32 $1.442695020e+00, v27;
	(erf) = vpow2.f32 v20;
	v41 =	vpop (erf)  }
0x75: {  	v8 =	vadd.f32 v8, v10;
	v10 =	vmul.f32 $1.442695020e+00, v28;
	v13 =	vadd.f32 v13, v56;
	v62 =	vpop (erf)  }
0x76: {  	v17 =	vadd.s32 s26, v24;
	(erf) = vpow2.f32 v22;
	v22 =	vmul.f32 $1.442695020e+00, v38;
	v24 =	vpop (erf)  }
0x77: {  	v20 =	vmul.f32 $1.442695020e+00, v30;
	(erf) = vpow2.f32 v26;
	v24 =	vadd.f32 v24, v13  }
0x78: {  	v8 =	vadd.f32 v59, v8;
	v28 =	vmul.f32 $1.442695020e+00, v29;
	(erf) = vpow2.f32 v10  }
0x79: {  	v26 =	vpop (erf);
	(erf) = vpow2.f32 v20;
	v13 =	vcvt.s32.f32 v11;
	v11 =	vadd.f32 v61, v24  }
0x7a: {  	s30 =	sadd.s32 $0x1A00, s26;
	v10 =	vadd.f32 $-1.000000000e+00, v60;
	v63 =	vshra.s32 v8, $0x17;
	v27 =	vpop (erf);
	(erf) = vpow2.f32 v39  }
0x7b: {  	s2 =	sor.u32 s29, s30;
	v24 =	vand.u32 $0x7FFFFF, v8;
	v29 =	vpop (erf);
	(erf) = vpow2.f32 v21;
	v21 =	vadd.f32 v27, v11  }
0x7c: {  	s31 =	sor.u32 s25, s30;
	v30 =	vld [tilespmem:s2+$0x0];
	v20 =	vpop (erf);
	v10 =	vmul.f32 v29, v10;
	v24 =	vor.u32 $0x3F800000, v24;
	(erf) = vpow2.f32 v19  }
0x7d: {  	v33 =	vadd.f32 $1.000000000e+00, v24;
	(erf) = vpow2.f32 v16;
	v27 =	vld [tilespmem:s31+$0x0];
	v11 =	vpop (erf);
	v26 =	vadd.f32 v26, v21  }
0x7e: {  	s0 =	sor.u32 s29, s0;
	(erf) = vpow2.f32 v37;
	v19 =	vadd.f32 v11, v40;
	v11 =	vmul.f32 v10, v10;
	v32 =	vpop (erf)  }
0x7f: {  	v34 =	vld [tilespmem:s0+$0x0];
	v8 =	vpop (erf);
	(erf) = vpow2.f32 v14;
	v35 =	vadd.f32 v62, v26;
	v14 =	vadd.s32 $0xFFFFFF81, v63  }
0x80: {  	s28 =	sor.u32 s29, s17;
	s25 =	simm.s32 $0x2;
	v29 =	vadd.f32 v41, v19;
	v21 =	vmul.f32 $1.111111120e-01, v11;
	v16 =	vpop (erf);
	(erf) = vpow2.f32 v58  }
.LBB2_3:
0x81: {  	s25 =	sadd.s32 $0x2, s25;
	v30 =	vmul.f32 $1.442695020e+00, v30;
	v26 =	vor.u32 v0, v17;
	v19 =	vpop (erf);
	(erf) = vrcp.f32 v33  }
0x82: {  	v27 =	vmul.f32 $1.442695020e+00, v27;
	s24 =	sadd.s32 $0x20, s24;
	s1 =	sshll.u32 s25, $0x4;
	p0 =	slt.u32 s25, $0x1E;
	v36 =	vadd.f32 v23, v35;
	(erf) = vpow2.f32 v31;
	v17 =	vpop (erf)  }
0x83: {  	s0 =	sand.u32 $0x60, s24;
	s26 =	sand.u32 $0xFFFFFF80, s1;
	(erf) = vpow2.f32 v25;
	v25 =	vpop (erf);
	v23 =	vld.idx.msk [tilespmem:v3+s15+$0x0], $0xffff;
	v3 =	vor.u32 v0, v7  }
0x84: {  	s2 =	sor.u32 s0, s26;
	s3 =	sadd.s32 $0x400, s26;
	s6 =	sadd.s32 $0x2400, s26;
	v7 =	vadd.f32 v32, v36;
	v31 =	vld [tilespmem:s28+$0x0];
	v32 =	vmul.f32 $1.442695020e+00, v34;
	v33 =	vpop (erf);
	(erf) = vpow2.f32 v27  }
0x85: {  	s10 =	sadd.s32 $0xA00, s26;
	s11 =	sadd.s32 $0x2200, s26;
	v34 =	vld [tilespmem:s2+$0x0];
	s5 =	sor.u32 s0, s3;
	v35 =	vpop (erf);
	(erf) = vpow2.f32 v18  }
0x86: {  	s12 =	sadd.s32 $0x600, s26;
	s7 =	sadd.s32 $0x1000, s26;
	s1 =	sadd.s32 $0x1C00, s26;
	v36 =	vld [tilespmem:s2+$0x4C00];
	v33 =	vadd.f32 v33, v7;
	v18 =	vpop (erf);
	(erf) = vpow2.f32 v6  }
0x87: {  	s8 =	sadd.s32 $0x1200, s26;
	s9 =	sor.u32 s0, s1;
	s2 =	sor.u32 s0, s12;
	v27 =	vld [tilespmem:s5+$0x0];
	v6 =	vpop (erf);
	(erf) = vpow2.f32 v32  }
0x88: {  	s16 =	sadd.s32 $0xE00, s26;
	s18 =	sadd.s32 $0x1800, s26;
	s5 =	sadd.s32 $0x800, s26;
	v32 =	vld [tilespmem:s9+$0x0];
	v6 =	vadd.f32 v6, v33;
	v7 =	vpop (erf);
	(erf) = vpow2.f32 v30  }
0x89: {  	s31 =	sor.u32 $0x10, s0;
	s14 =	sor.u32 s0, s18;
	s9 =	sadd.s32 $0x200, s26;
	v33 =	vld [tilespmem:s2+$0x0];
	v7 =	vadd.f32 v7, v29;
	v30 =	vmul.f32 $1.442695020e+00, v31;
	v31 =	vpop (erf);
	v29 =	vadd.f32 $-1.000000000e+00, v24  }
0x8a: {  	s13 =	sadd.s32 $0xC00, s26;
	s19 =	sadd.s32 $0x1600, s26;
	s20 =	sor.u32 s0, s9;
	v34 =	vmul.f32 $1.442695020e+00, v34;
	v6 =	vadd.f32 v18, v6;
	(erf) = vpow2.f32 v28;
	v24 =	vld.idx.msk [tilespmem:v4+s15+$0x0], $0xffff;
	v4 =	vpop (erf)  }
0x8b: {  	s17 =	sor.u32 s0, s16;
	s21 =	sor.u32 s31, s19;
	s2 =	sor.u32 s0, s13;
	v28 =	vld [tilespmem:s14+$0x0];
	v7 =	vadd.f32 v15, v7;
	v15 =	vpop (erf);
	(erf) = vpow2.f32 v12;
	v18 =	vmul.f32 v4, v29  }
0x8c: {  	s30 =	sor.u32 s31, s18;
	s12 =	sor.u32 s31, s12;
	s14 =	sor.u32 s0, s7;
	v4 =	vshll.u32 v36, $0x9;
	v29 =	vld [tilespmem:s21+$0x0];
	(erf) = vpow2.f32 v34;
	v34 =	vadd.f32 v35, v6;
	v35 =	vpop (erf)  }
0x8d: {  	s22 =	sadd.s32 $0x1400, s26;
	s18 =	sor.u32 s0, s19;
	s21 =	sor.u32 s0, s8;
	v6 =	vmul.f32 $1.442695020e+00, v32;
	v32 =	vld [tilespmem:s12+$0x0];
	v7 =	vadd.f32 v15, v7;
	v15 =	vpop (erf);
	v12 =	vmul.f32 v18, v18  }
0x8e: {  	s23 =	sor.u32 s0, s22;
	s19 =	sor.u32 s26, s31;
	v4 =	vor.u32 s0, v4;
	s12 =	sor.u32 s0, s10;
	v36 =	vld [tilespmem:s18+$0x0];
	v15 =	vadd.f32 v15, v34;
	(erf) = vpow2.f32 v22;
	v22 =	vpop (erf)  }
0x8f: {  	s7 =	sor.u32 s31, s7;
	s8 =	sor.u32 s31, s8;
	s18 =	sor.u32 s31, s5;
	v34 =	vld [tilespmem:s19+$0x4C00];
	v7 =	vadd.f32 v22, v7;
	v22 =	vpop (erf);
	(erf) = vpow2.f32 v5;
	v5 =	vmul.f32 $1.111111120e-01, v12  }
0x90: {  	v21 =	vadd.f32 $1.428571490e-01, v21;
	s28 =	sadd.s32 $0x1A00, s26;
	s4 =	sor.u32 s31, s3;
	s9 =	sor.u32 s31, s9;
	v33 =	vmul.f32 $1.442695020e+00, v33;
	v37 =	vld [tilespmem:s18+$0x0];
	v15 =	vadd.f32 v22, v15;
	v22 =	vpop (erf)  }
0x91: {  	v40 =	vmul.f32 $6.931471820e-01, v13;
	s29 =	sor.u32 s31, s16;
	s22 =	sor.u32 s31, s22;
	s18 =	sor.u32 s0, s28;
	v38 =	vld [tilespmem:s19+$0x0];
	v43 =	vadd.f32 v22, v7;
	v39 =	vpop (erf);
	v13 =	vadd.f32 $1.428571490e-01, v5  }
0x92: {  	s16 =	sadd.s32 $0x1E00, s26;
	s3 =	sor.u32 s0, s5;
	v7 =	vadd.s32 s26, v4;
	v5 =	vmul.f32 $1.442695020e+00, v29;
	v29 =	vmul.f32 v21, v11;
	v4 =	vmovc v26;
	v41 =	vld [tilespmem:s17+$0x0];
	s17 =	sor.u32 s31, s28  }
0x93: {  	s5 =	sor.u32 s0, s16;
	s19 =	sor.u32 s31, s16;
	v21 =	vmul.f32 $1.442695020e+00, v32;
	v42 =	vld [tilespmem:s21+$0x0];
	s21 =	sadd.s32 $0x2000, s26;
	v20 =	vadd.f32 v20, v43;
	v22 =	vpop (erf);
	v32 =	vmul.f32 v13, v12  }
0x94: {  	v26 =	vmul.f32 $1.442695020e+00, v36;
	v43 =	vld [tilespmem:s23+$0x0];
	s16 =	sor.u32 s0, s21;
	s23 =	sor.u32 s31, s13;
	s28 =	sor.u32 s31, s21;
	v36 =	vpop (erf);
	(erf) = vpow2.f32 v9;
	v9 =	vadd.f32 $2.000000030e-01, v29  }
0x95: {  	v29 =	vmul.f32 $1.442695020e+00, v28;
	s21 =	sor.u32 s31, s1;
	s13 =	sor.u32 s31, s6;
	v28 =	vld [tilespmem:s22+$0x0];
	s22 =	sor.u32 s31, s11;
	v47 =	vmul.f32 $1.442695020e+00, v37;
	v13 =	vpop (erf);
	v32 =	vadd.f32 $2.000000030e-01, v32  }
0x96: {  	v45 =	vadd.f32 v10, v10;
	s1 =	sor.u32 s0, s11;
	s0 =	sor.u32 s0, s6;
	s6 =	sor.u32 s31, s10;
	v44 =	vld [tilespmem:s4+$0x0];
	v38 =	vmul.f32 $1.442695020e+00, v38;
	v9 =	vmul.f32 v9, v11  }
0x97: {  	v20 =	vadd.f32 v36, v20;
	v46 =	vld [tilespmem:s22+$0x0];
	(erf) = vpow2.f32 v33;
	v33 =	vpop (erf);
	v32 =	vmul.f32 v32, v12  }
0x98: {  	v36 =	vld [tilespmem:s14+$0x0];
	(erf) = vpow2.f32 v47;
	v37 =	vpop (erf);
	v9 =	vadd.f32 $3.333333430e-01, v9;
	v47 =	vcvt.s32.f32 v14  }
0x99: {  	v15 =	vadd.f32 v35, v15;
	v20 =	vadd.f32 v31, v20;
	v10 =	vmul.f32 $1.442695020e+00, v42;
	v42 =	vld [tilespmem:s21+$0x0]  }
0x9a: {  	v35 =	vmul.f32 $1.442695020e+00, v27;
	v31 =	vld [tilespmem:s20+$0x0];
	v9 =	vmul.f32 v9, v11;
	v11 =	vadd.f32 $3.333333430e-01, v32  }
0x9b: {  	v15 =	vadd.f32 v25, v15;
	v14 =	vmul.f32 $1.442695020e+00, v43;
	v20 =	vadd.f32 v37, v20;
	v32 =	vld [tilespmem:s12+$0x0]  }
0x9c: {  	v25 =	vmul.f32 $1.442695020e+00, v41;
	v41 =	vmul.f32 $6.931471820e-01, v47;
	v37 =	vld [tilespmem:s23+$0x0];
	v9 =	vadd.f32 $1.000000000e+00, v9  }
0x9d: {  	v15 =	vadd.f32 v33, v15;
	v20 =	vadd.f32 v22, v20;
	v27 =	vld [tilespmem:s18+$0x0];
	(erf) = vpow2.f32 v30;
	v33 =	vpop (erf)  }
0x9e: {  	v34 =	vshll.u32 v34, $0x9;
	v22 =	vld [tilespmem:s8+$0x0];
	(erf) = vpow2.f32 v25;
	v9 =	vmul.f32 v9, v45  }
0x9f: {  	v16 =	vadd.f32 v16, v15;
	v36 =	vmul.f32 $1.442695020e+00, v36;
	v25 =	vmul.f32 $1.442695020e+00, v31;
	v31 =	vld [tilespmem:s9+$0x0]  }
0xa0: {  	v43 =	vmul.f32 $1.442695020e+00, v44;
	v30 =	vld [tilespmem:s17+$0x0];
	v44 =	vpop (erf);
	(erf) = vpow2.f32 v38;
	v9 =	vadd.f32 v9, v40  }
0xa1: {  	v20 =	vadd.f32 v39, v20;
	v32 =	vmul.f32 $1.442695020e+00, v32;
	v38 =	vld [tilespmem:s2+$0x0];
	(erf) = vpow2.f32 v25;
	v15 =	vpop (erf)  }
0xa2: {  	v11 =	vmul.f32 v11, v12;
	v39 =	vand.u32 $0x7FFFFF, v16;
	v25 =	vld [tilespmem:s5+$0x0];
	(erf) = vpow2.f32 v43  }
0xa3: {  	v43 =	vmul.f32 $1.442695020e+00, v28;
	v40 =	vld [tilespmem:s13+$0x0];
	v12 =	vmul.f32 $1.442695020e+00, v22;
	v22 =	vadd.f32 v18, v18  }
0xa4: {  	v9 =	vsub.f32 v9, v23;
	v18 =	vmul.f32 $1.442695020e+00, v37;
	v37 =	vmul.f32 $1.442695020e+00, v46;
	v28 =	vld [tilespmem:s3+$0x0]  }
0xa5: {  	v11 =	vadd.f32 $1.000000000e+00, v11;
	v19 =	vadd.f32 v19, v20;
	v46 =	vmul.f32 $1.442695020e+00, v31;
	v45 =	vld [tilespmem:s16+$0x0]  }
0xa6: {  	v1 =	vadd.f32 v9, v1;
	v2 =	vmin.f32 v2, v9;
	v20 =	vmul.f32 $1.442695020e+00, v38;
	v31 =	vld [tilespmem:s7+$0x0];
	v38 =	vpop (erf)  }
0xa7: {  	v39 =	vor.u32 $0x3F800000, v39;
	v11 =	vmul.f32 v11, v22;
	v25 =	vmul.f32 $1.442695020e+00, v25;
	v47 =	vld [tilespmem:s6+$0x0];
	v23 =	vpop (erf)  }
0xa8: {  	v22 =	vor.u32 s31, v34;
	v9 =	vmul.f32 $1.442695020e+00, v40;
	(erf) = vpow2.f32 v20  }
0xa9: {  	v11 =	vadd.f32 v11, v41;
	v20 =	vmul.f32 $1.442695020e+00, v28;
	(erf) = vpow2.f32 v35;
	v34 =	vpop (erf)  }
0xaa: {  	v28 =	vld [tilespmem:s0+$0x0];
	v35 =	vmul.f32 $1.442695020e+00, v45;
	v40 =	vpop (erf);
	(erf) = vpow2.f32 v32;
	v32 =	vadd.f32 $1.000000000e+00, v39  }
0xab: {  	v17 =	vadd.f32 v17, v19;
	v41 =	vmul.f32 $1.442695020e+00, v31;
	(erf) = vpow2.f32 v20;
	v45 =	vpop (erf)  }
0xac: {  	v11 =	vsub.f32 v11, v24;
	v19 =	vld [tilespmem:s1+$0x0];
	v31 =	vmul.f32 $1.442695020e+00, v47;
	(erf) = vrcp.f32 v32  }
0xad: {  	v16 =	vshra.s32 v16, $0x17;
	v17 =	vadd.f32 v38, v17;
	v20 =	vld [tilespmem:s19+$0x0];
	(erf) = vpow2.f32 v41  }
0xae: {  	v1 =	vadd.f32 v11, v1;
	v2 =	vmin.f32 v2, v11;
	v24 =	vld [tilespmem:s30+$0x0];
	(erf) = vpow2.f32 v46  }
0xaf: {  	v8 =	vadd.f32 v8, v17;
	v11 =	vmul.f32 $1.442695020e+00, v28;
	(erf) = vpow2.f32 v36  }
0xb0: {  	v17 =	vadd.s32 s26, v22;
	v32 =	vmul.f32 $1.442695020e+00, v42;
	(erf) = vpow2.f32 v37  }
0xb1: {  	v13 =	vadd.f32 v40, v13;
	v22 =	vmul.f32 $1.442695020e+00, v19;
	v19 =	vpop (erf);
	(erf) = vpow2.f32 v11  }
0xb2: {  	v16 =	vadd.s32 $0xFFFFFF81, v16;
	v36 =	vadd.f32 v33, v8;
	v11 =	vmul.f32 $1.442695020e+00, v20;
	v20 =	vpop (erf)  }
0xb3: {  	v8 =	vadd.f32 v20, v13;
	v28 =	vmul.f32 $1.442695020e+00, v24;
	v37 =	vpop (erf);
	(erf) = vpow2.f32 v32  }
0xb4: {  	v33 =	vadd.f32 $-1.000000000e+00, v39;
	v13 =	vcvt.s32.f32 v16;
	v32 =	vpop (erf);
	(erf) = vpow2.f32 v11  }
0xb5: {  	v16 =	vand.u32 $0x7FFFFF, v36;
	v8 =	vadd.f32 v44, v8;
	(erf) = vpow2.f32 v35;
	v24 =	vpop (erf)  }
0xb6: {  	(erf) = vpow2.f32 v10;
	v20 =	vpop (erf);
	v10 =	vmul.f32 v24, v33;
	v24 =	vor.u32 $0x3F800000, v16  }
.Ltmp0:
0xb7: {  	v35 =	vadd.f32 v32, v8;
	(erf) = vpow2.f32 v29;
	v11 =	vpop (erf);
	v33 =	vadd.f32 $1.000000000e+00, v24;
	(pc) =	sbr.rel @p0 .LBB2_3-.Ltmp0, $4  }
0xb8: {  	v38 =	vadd.f32 v11, v34;
	v32 =	vpop (erf);
	(erf) = vpow2.f32 v26;
	v11 =	vmul.f32 v10, v10  }
0xb9: {  	v26 =	vadd.f32 v37, v35;
	(erf) = vpow2.f32 v14;
	v8 =	vpop (erf);
	v14 =	vshra.s32 v36, $0x17  }
0xba: {  	v34 =	vld [tilespmem:s29+$0x0];
	v29 =	vadd.f32 v45, v38;
	v16 =	vpop (erf);
	(erf) = vpow2.f32 v21;
	v21 =	vmul.f32 $1.111111120e-01, v11  }
0xbb: {  	v14 =	vadd.s32 $0xFFFFFF81, v14;
	v35 =	vadd.f32 v19, v26;
	(erf) = vpow2.f32 v43  }
0xbc: {  	v19 =	vpop (erf);
	(erf) = vrcp.f32 v33  }
0xbd: {  	v26 =	vmul.f32 $1.442695020e+00, v27;
	(erf) = vpow2.f32 v31;
	v27 =	vpop (erf)  }
0xbe: {  	(erf) = vpow2.f32 v25;
	v25 =	vpop (erf)  }
0xbf: {  	v31 =	vpop (erf);
	(erf) = vpow2.f32 v26;
	v26 =	vmul.f32 $1.442695020e+00, v34  }
0xc0: {  	v55 =	vpop (erf);
	(erf) = vpow2.f32 v18  }
0xc1: {  	v18 =	vpop (erf);
	(erf) = vpow2.f32 v6  }
0xc2: {  	v6 =	vmul.f32 $1.442695020e+00, v30;
	v30 =	vpop (erf);
	(erf) = vpow2.f32 v26  }
0xc3: {  	v26 =	vpop (erf)  }
0xc4: {  	(erf) = vpow2.f32 v6;
	v6 =	vadd.f32 v26, v29;
	v26 =	vpop (erf)  }
0xc5: {  	(erf) = vpow2.f32 v28;
	v28 =	vpop (erf)  }
0xc6: {  	(erf) = vpow2.f32 v12;
	v6 =	vadd.f32 v15, v6;
	v15 =	vpop (erf)  }
0xc7: {  	v12 =	vpop (erf)  }
0xc8: {  	v6 =	vadd.f32 v15, v6;
	v15 =	vpop (erf)  }
0xc9: {  	(erf) = vpow2.f32 v22;
	v22 =	vpop (erf)  }
0xca: {  	v6 =	vadd.f32 v22, v6;
	v22 =	vpop (erf);
	(erf) = vpow2.f32 v5  }
0xcb: {  	v5 =	vadd.f32 v23, v35;
	v23 =	vpop (erf)  }
0xcc: {  	v6 =	vadd.f32 v23, v6  }
0xcd: {  	v5 =	vadd.f32 v32, v5;
	v23 =	vld [tilespmem:s28+$0x0];
	v29 =	vpop (erf)  }
0xce: {  	v6 =	vadd.f32 v20, v6;
	v20 =	vpop (erf)  }
0xcf: {  	v5 =	vadd.f32 v31, v5;
	v31 =	vpop (erf)  }
0xd0: {  	v6 =	vadd.f32 v31, v6  }
0xd1: {  	v5 =	vadd.f32 v30, v5  }
0xd2: {  	v30 =	vpop (erf);
	v23 =	vmul.f32 $1.442695020e+00, v23;
	v6 =	vadd.f32 v26, v6  }
0xd3: {  	(erf) = vpow2.f32 v9;
	v5 =	vadd.f32 v18, v5;
	v9 =	vpop (erf)  }
0xd4: {  	(erf) = vpow2.f32 v23;
	v6 =	vadd.f32 v9, v6  }
0xd5: {  	v5 =	vadd.f32 v55, v5  }
0xd6: {  	v6 =	vadd.f32 v20, v6  }
0xd7: {  	v5 =	vadd.f32 v15, v5  }
0xd8: {  	v6 =	vadd.f32 v29, v6  }
0xd9: {  	v5 =	vadd.f32 v22, v5  }
0xda: {  	v6 =	vadd.f32 v19, v6  }
0xdb: {  	v5 =	vadd.f32 v12, v5  }
0xdc: {  	v12 =	vpop (erf);
	v6 =	vadd.f32 v27, v6  }
0xdd: {  	v5 =	vadd.f32 v25, v5;
	v9 =	vpop (erf)  }
0xde: {  	v6 =	vadd.f32 v9, v6  }
0xdf: {  	v5 =	vadd.f32 v30, v5  }
0xe0: {  	v6 =	vadd.f32 v8, v6  }
0xe1: {  	v9 =	vadd.f32 v16, v5  }
0xe2: {  	s0 =	rddreg [dreg:$0xd];
	v12 =	vadd.f32 v12, v6  }
0xe3: {  	s0 =	sshll.u32 s0, $0x1;
	v6 =	vand.u32 $0x7FFFFF, v9  }
0xe4: {  	s0 =	smin.u32 s0, $0x2D;
	v8 =	vor.u32 $0x3F800000, v6;
	v6 =	vand.u32 $0x7FFFFF, v12  }
0xe5: {  	s0 =	sadd.s32 $0x2, s0;
	v5 =	vor.u32 v0, v7;
	v15 =	vadd.f32 $1.000000000e+00, v8;
	v16 =	vor.u32 $0x3F800000, v6  }
0xe6: {  	s1 =	sshrl.u32 s0, $0x1;
	v7 =	vor.u32 v0, v17;
	v17 =	vld.idx.msk [tilespmem:v3+s15+$0x0], $0xffff;
	v3 =	vadd.f32 $1.000000000e+00, v16  }
0xe7: {  	s4 =	rddreg [dreg:$0x5];
	s2 =	sshrl.u32 s0, $0x4;
	s1 =	sand.u32 $0x4, s1;
	(erf) = vrcp.f32 v15  }
0xe8: {  	s5 =	rddreg [dreg:$0x0];
	s3 =	smul.u32 $0x4C0000, s2;
	s1 =	sor.u32 s4, s1;
	(erf) = vrcp.f32 v3  }
0xe9: {  	s31 =	simm.s32 $0x0;
	s0 =	sshll.u32 s0, $0x9;
	s1 =	sshll.u32 s1, $0xA;
	v6 =	vld.idx.msk [tilespmem:v4+s15+$0x0], $0xffff  }
0xea: {  	s30 =	sand.u32 $0xC00, s0;
	s2 =	sshll.u32 s2, $0x12;
	s3 =	sor.u32 s3, s1;
	v4 =	vld.idx.msk [tilespmem:v5+s15+$0x0], $0xffff;
	v5 =	vadd.f32 $-1.000000000e+00, v24  }
0xeb: {  	s0 =	sand.u32 $0x200, s0;
	s1 =	sor.u32 s2, s1;
	s3 =	sor.u32 s30, s3  }
0xec: {  	s6 =	simm.s32 $0x200;
	s1 =	sor.u32 s30, s1;
	s3 =	sor.u32 s0, s3;
	v3 =	vld.idx.msk [tilespmem:v7+s15+$0x0], $0xffff;
	v7 =	vmul.f32 v28, v5  }
0xed: {  	s7 =	simm.s32 $0x40000;
	s0 =	sor.u32 s0, s1;
	s3 =	sshrl.u32 s3, $0x3;
	v5 =	vadd.f32 $1.428571490e-01, v21  }
0xee: {  	s8 =	rddreg [dreg:$0x1];
	s0 =	sshrl.u32 s0, $0x3;
	s3 =	sadd.s32 s5, s3;
	v15 =	vmul.f32 v7, v7  }
0xef: {  	[tilespmem:s31], [sflag:$0x1] =	stream.strided.gather [hbm4b:s3+s6], $0x2600, s7, s6, $0x38;
	v5 =	vmul.f32 v5, v11;
	[tilespmem:$0x5300] =	vst v63  }
0xf0: {  	s9 =	simm.s32 $0x4C00;
	s10 =	simm.s32 $0x2;
	s0 =	sadd.s32 s8, s0;
	v18 =	vmul.f32 $1.111111120e-01, v15;
	v19 =	vpop (erf)  }
0xf1: {  	[tilespmem:s9], [sflag:$0x1] =	stream.linear.gather [hbm4b:s0+s31], $0x200, $0x38;
	v5 =	vadd.f32 $2.000000030e-01, v5;
	v20 =	vpop (erf);
	[tilespmem:$0x5300] =	vst v63  }
0xf2: {  	v18 =	vadd.f32 $1.428571490e-01, v18;
	_ =	swait.ge [sflag:s10], $0x2600  }
0xf3: {  	v5 =	vmul.f32 v5, v11;
	[sflag:s10] =	ssyncset.done $0x0  }
0xf4: {  	s11 =	simm.s32 $0x0;
	v18 =	vmul.f32 v18, v15;
	[sflag:s10] =	ssyncadd.s32 $0xFFFFDA00  }
0xf5: {  	s25 =	sand.u32 $0xFFFFFF80, s11;
	v5 =	vadd.f32 $3.333333430e-01, v5;
	_ =	swait.ge [sflag:s10], $0x200  }
0xf6: {  	s26 =	sand.u32 $0x60, s31;
	s12 =	sadd.s32 $0x2600, s25;
	v18 =	vadd.f32 $2.000000030e-01, v18;
	[sflag:s10] =	ssyncset.done $0x0  }
0xf7: {  	v13 =	vmul.f32 $6.931471820e-01, v13;
	s13 =	sadd.s32 $0x2800, s25;
	s14 =	sor.u32 s26, s12;
	v8 =	vadd.f32 $-1.000000000e+00, v8;
	v5 =	vmul.f32 v5, v11;
	[sflag:s10] =	ssyncadd.s32 $0xFFFFFE00  }
0xf8: {  	v14 =	vcvt.s32.f32 v14;
	v16 =	vadd.f32 $-1.000000000e+00, v16;
	s15 =	sor.u32 s26, s13;
	s0 =	sadd.s32 $0x3000, s25;
	v11 =	vmul.f32 v18, v15;
	v18 =	vld [tilespmem:s14+$0x0]  }
0xf9: {  	s17 =	sadd.s32 $0x3400, s25;
	v21 =	vadd.f32 v10, v10;
	s16 =	sor.u32 s26, s0;
	v10 =	vmul.f32 v19, v8;
	v22 =	vadd.f32 $1.000000000e+00, v5;
	v19 =	vld [tilespmem:s15+$0x0]  }
0xfa: {  	s18 =	sor.u32 s26, s17;
	s28 =	sor.u32 $0x10, s26;
	v5 =	vmul.f32 v20, v16;
	v8 =	vadd.f32 $3.333333430e-01, v11;
	v11 =	vmul.f32 $6.931471820e-01, v14;
	v14 =	vld [tilespmem:s16+$0x0]  }
0xfb: {  	s19 =	sadd.s32 $0x2A00, s25;
	s3 =	sor.u32 s28, s17;
	v20 =	vmul.f32 v10, v10;
	v16 =	vmul.f32 v22, v21;
	v21 =	vld [tilespmem:s18+$0x0]  }
0xfc: {  	s20 =	sadd.s32 $0x3200, s25;
	s21 =	sor.u32 s28, s19;
	v15 =	vmul.f32 v8, v15;
	v8 =	vmul.f32 v5, v5;
	v22 =	vld [tilespmem:s3+$0x0]  }
0xfd: {  	s22 =	sadd.s32 $0x2C00, s25;
	s23 =	sor.u32 s28, s20;
	v23 =	vmul.f32 $1.111111120e-01, v20;
	v24 =	vld [tilespmem:s21+$0x0];
	v18 =	vmul.f32 $1.442695020e+00, v18  }
0xfe: {  	s24 =	sor.u32 s28, s22;
	v26 =	vld [tilespmem:s23+$0x0];
	v25 =	vmul.f32 $1.111111120e-01, v8;
	v19 =	vmul.f32 $1.442695020e+00, v19  }
0xff: {  	s5 =	sor.u32 s26, s19;
	v14 =	vmul.f32 $1.442695020e+00, v14;
	(erf) = vpow2.f32 v18;
	v18 =	vld [tilespmem:s24+$0x0]  }
0x100: {  	(erf) = vpow2.f32 v19;
	v19 =	vmul.f32 $1.442695020e+00, v21;
	v21 =	vld [tilespmem:s5+$0x0]  }
0x101: {  	v13 =	vadd.f32 v16, v13;
	(erf) = vpow2.f32 v14;
	v14 =	vmul.f32 $1.442695020e+00, v22  }
0x102: {  	s30 =	sor.u32 s26, s22;
	v7 =	vadd.f32 v7, v7;
	s31 =	sadd.s32 $0x2E00, s25;
	(erf) = vpow2.f32 v19;
	v19 =	vmul.f32 $1.442695020e+00, v24  }
0x103: {  	s9 =	sadd.s32 $0x3600, s25;
	s6 =	sor.u32 s26, s31;
	v16 =	vld [tilespmem:s30+$0x0];
	v13 =	vsub.f32 v13, v17;
	v17 =	vmul.f32 $1.442695020e+00, v26;
	(erf) = vpow2.f32 v14  }
0x104: {  	s11 =	sor.u32 s26, s9;
	v15 =	vadd.f32 $1.000000000e+00, v15;
	v22 =	vld [tilespmem:s6+$0x0];
	v18 =	vmul.f32 $1.442695020e+00, v18;
	(erf) = vpow2.f32 v19  }
0x105: {  	s4 =	sor.u32 s26, s20;
	s7 =	sadd.s32 $0x3800, s25;
	v27 =	vld [tilespmem:s11+$0x0];
	v19 =	vmul.f32 $1.442695020e+00, v21;
	(erf) = vpow2.f32 v17;
	v17 =	vadd.f32 $1.428571490e-01, v25  }
0x106: {  	v9 =	vshra.s32 v9, $0x17;
	s8 =	sor.u32 s28, s7;
	s16 =	sadd.s32 $0x3C00, s25;
	v15 =	vmul.f32 v15, v7;
	(erf) = vpow2.f32 v18;
	v18 =	vld [tilespmem:s4+$0x0]  }
0x107: {  	v9 =	vadd.s32 $0xFFFFFF81, v9;
	s17 =	sor.u32 s26, s16;
	(erf) = vpow2.f32 v19;
	v17 =	vmul.f32 v17, v8;
	v19 =	vld [tilespmem:s8+$0x0]  }
0x108: {  	s1 =	sor.u32 s28, s12;
	v16 =	vmul.f32 $1.442695020e+00, v16;
	v11 =	vadd.f32 v15, v11;
	v15 =	vld [tilespmem:s17+$0x0];
	v14 =	vadd.f32 $1.428571490e-01, v23  }
0x109: {  	s2 =	sor.u32 s28, s13;
	v9 =	vcvt.s32.f32 v9;
	v23 =	vld [tilespmem:s1+$0x0];
	v22 =	vmul.f32 $1.442695020e+00, v22;
	v21 =	vpop (erf);
	v7 =	vadd.f32 $2.000000030e-01, v17  }
0x10a: {  	v14 =	vmul.f32 v14, v20;
	(erf) = vpow2.f32 v16;
	v16 =	vld [tilespmem:s2+$0x0];
	v24 =	vpop (erf)  }
0x10b: {  	s10 =	sor.u32 s26, s7;
	v27 =	vmul.f32 $1.442695020e+00, v27;
	(erf) = vpow2.f32 v22;
	v17 =	vpop (erf)  }
0x10c: {  	s12 =	sadd.s32 $0x4600, s25;
	v25 =	vld [tilespmem:s10+$0x0];
	v14 =	vadd.f32 $2.000000030e-01, v14;
	v18 =	vmul.f32 $1.442695020e+00, v18;
	v26 =	vpop (erf);
	v19 =	vmul.f32 $1.442695020e+00, v19  }
0x10d: {  	s13 =	sadd.s32 $0x3A00, s25;
	s14 =	sor.u32 s28, s12;
	v15 =	vmul.f32 $1.442695020e+00, v15;
	v22 =	vmul.f32 v7, v8;
	v7 =	vpop (erf)  }
0x10e: {  	s15 =	sor.u32 s26, s13;
	v28 =	vadd.f32 v13, v1;
	v14 =	vmul.f32 v14, v20;
	(erf) = vpow2.f32 v18;
	v18 =	vld [tilespmem:s14+$0x0];
	v29 =	vpop (erf)  }
0x10f: {  	s3 =	sor.u32 s28, s31;
	v2 =	vmin.f32 v2, v13;
	v13 =	vmul.f32 $1.442695020e+00, v23;
	v23 =	vld [tilespmem:s15+$0x0];
	v16 =	vmul.f32 $1.442695020e+00, v16;
	v1 =	vpop (erf)  }
0x110: {  	s1 =	sor.u32 s28, s9;
	v21 =	vadd.f32 v24, v21;
	v24 =	vld [tilespmem:s3+$0x0];
	v14 =	vadd.f32 $3.333333430e-01, v14;
	(erf) = vpow2.f32 v19;
	v19 =	vpop (erf)  }
0x111: {  	v25 =	vmul.f32 $1.442695020e+00, v25;
	(erf) = vpow2.f32 v13;
	v13 =	vld [tilespmem:s1+$0x0];
	v30 =	vpop (erf)  }
0x112: {  	s20 =	sadd.s32 $0x4200, s25;
	v14 =	vmul.f32 v14, v20;
	(erf) = vpow2.f32 v16;
	v21 =	vadd.f32 v30, v21  }
0x113: {  	s23 =	sor.u32 s26, s20;
	v11 =	vsub.f32 v11, v6;
	(erf) = vpow2.f32 v25;
	v16 =	vpop (erf);
	v18 =	vmul.f32 $1.442695020e+00, v18  }
0x114: {  	s19 =	sor.u32 s28, s0;
	s18 =	sadd.s32 $0x3E00, s25;
	v6 =	vmul.f32 $1.442695020e+00, v23;
	v25 =	vld [tilespmem:s23+$0x0];
	(erf) = vpow2.f32 v27;
	v16 =	vadd.f32 v16, v21  }
0x115: {  	s22 =	sadd.s32 $0x4000, s25;
	v12 =	vshra.s32 v12, $0x17;
	s21 =	sor.u32 s26, s18;
	v20 =	vld [tilespmem:s19+$0x0];
	v24 =	vmul.f32 $1.442695020e+00, v24;
	v23 =	vpop (erf);
	(erf) = vpow2.f32 v18  }
0x116: {  	s24 =	sadd.s32 $0x4800, s25;
	s8 =	sor.u32 s26, s22;
	v21 =	vld [tilespmem:s21+$0x0];
	v13 =	vmul.f32 $1.442695020e+00, v13;
	(erf) = vpow2.f32 v6;
	v16 =	vadd.f32 v23, v16  }
0x117: {  	v12 =	vadd.s32 $0xFFFFFF81, v12;
	v9 =	vmul.f32 $6.931471820e-01, v9;
	s31 =	sadd.s32 $0x4400, s25;
	v18 =	vld [tilespmem:s8+$0x0];
	s8 =	sor.u32 s28, s24;
	(erf) = vpow2.f32 v24  }
0x118: {  	v12 =	vcvt.s32.f32 v12;
	s9 =	sor.u32 s26, s31;
	v27 =	vpop (erf);
	(erf) = vpow2.f32 v13;
	v13 =	vld [tilespmem:s8+$0x0];
	v16 =	vadd.f32 v17, v16  }
0x119: {  	v10 =	vadd.f32 v10, v10;
	v14 =	vadd.f32 $1.000000000e+00, v14;
	v24 =	vmul.f32 $1.442695020e+00, v25;
	v25 =	vld [tilespmem:s9+$0x0];
	v6 =	vpop (erf)  }
0x11a: {  	v20 =	vmul.f32 $1.442695020e+00, v20;
	(erf) = vpow2.f32 v15;
	v15 =	vpop (erf);
	v16 =	vadd.f32 v27, v16  }
0x11b: {  	s2 =	sor.u32 s26, s12;
	v10 =	vmul.f32 v14, v10;
	v21 =	vmul.f32 $1.442695020e+00, v21;
	v27 =	vpop (erf)  }
0x11c: {  	v14 =	vld [tilespmem:s2+$0x0];
	v17 =	vadd.f32 $3.333333430e-01, v22;
	(erf) = vpow2.f32 v20;
	v16 =	vadd.f32 v26, v16;
	v26 =	vpop (erf)  }
0x11d: {  	s10 =	sor.u32 s28, s31;
	(erf) = vpow2.f32 v21;
	v21 =	vadd.f32 v11, v28;
	v13 =	vmul.f32 $1.442695020e+00, v13;
	v28 =	vpop (erf)  }
0x11e: {  	s30 =	sor.u32 s26, s24;
	v18 =	vmul.f32 $1.442695020e+00, v18;
	v20 =	vld [tilespmem:s10+$0x0];
	v25 =	vmul.f32 $1.442695020e+00, v25;
	v16 =	vadd.f32 v28, v16  }
0x11f: {  	v23 =	vld [tilespmem:s30+$0x0];
	v17 =	vmul.f32 v17, v8;
	(erf) = vpow2.f32 v24;
	v8 =	vpop (erf)  }
0x120: {  	v12 =	vmul.f32 $6.931471820e-01, v12;
	(erf) = vpow2.f32 v18;
	v16 =	vadd.f32 v26, v16;
	v26 =	vpop (erf)  }
0x121: {  	s4 =	sor.u32 s28, s13;
	v14 =	vmul.f32 $1.442695020e+00, v14;
	(erf) = vpow2.f32 v13;
	v13 =	vpop (erf)  }
0x122: {  	s11 =	sor.u32 s28, s16;
	s12 =	sadd.s32 $0x4A00, s25;
	v22 =	vld [tilespmem:s4+$0x0];
	v15 =	vadd.f32 v27, v15;
	(erf) = vpow2.f32 v25;
	v16 =	vadd.f32 v26, v16;
	v25 =	vpop (erf)  }
0x123: {  	v5 =	vadd.f32 v5, v5;
	s13 =	sor.u32 s26, s12;
	v17 =	vadd.f32 $1.000000000e+00, v17;
	v24 =	vld [tilespmem:s11+$0x0];
	v20 =	vmul.f32 $1.442695020e+00, v20;
	v27 =	vpop (erf)  }
0x124: {  	s16 =	simm.s32 $0x20;
	v15 =	vadd.f32 v29, v15;
	v18 =	vmul.f32 $1.442695020e+00, v23;
	v23 =	vld [tilespmem:s13+$0x0];
	v16 =	vadd.f32 v27, v16  }
0x125: {  	s29 =	simm.s32 $0x20;
	s0 =	sand.u32 $0xFFFFFF80, s16;
	s1 =	sor.u32 s28, s18;
	v5 =	vmul.f32 v17, v5;
	(erf) = vpow2.f32 v20  }
0x126: {  	s17 =	sor.u32 s28, s20;
	s18 =	sadd.s32 $0x2800, s0;
	s11 =	sand.u32 $0x60, s29;
	v15 =	vadd.f32 v19, v15;
	v19 =	vld [tilespmem:s1+$0x0];
	(erf) = vpow2.f32 v14;
	v14 =	vpop (erf)  }
0x127: {  	v9 =	vadd.f32 v10, v9;
	v22 =	vmul.f32 $1.442695020e+00, v22;
	v17 =	vld [tilespmem:s17+$0x0];
	s20 =	sor.u32 s11, s18;
	s1 =	sadd.s32 $0x2600, s0;
	v5 =	vadd.f32 v5, v12;
	v27 =	vpop (erf)  }
0x128: {  	s19 =	sor.u32 s11, s1;
	v12 =	vld [tilespmem:s20+$0x0];
	v24 =	vmul.f32 $1.442695020e+00, v24;
	v13 =	vadd.f32 v13, v15;
	v15 =	vadd.f32 v27, v16;
	v16 =	vpop (erf)  }
0x129: {  	s3 =	sor.u32 s28, s22;
	s14 =	sadd.s32 $0x4E00, s25;
	v4 =	vsub.f32 v9, v4;
	v9 =	vld [tilespmem:s19+$0x0];
	v23 =	vmul.f32 $1.442695020e+00, v23;
	(erf) = vpow2.f32 v22;
	v10 =	vpop (erf)  }
0x12a: {  	s15 =	sor.u32 s28, s14;
	v22 =	vld [tilespmem:s3+$0x0];
	(erf) = vpow2.f32 v18;
	v13 =	vadd.f32 v14, v13;
	v14 =	vadd.f32 v10, v15  }
0x12b: {  	v2 =	vmin.f32 v2, v11;
	s4 =	sor.u32 s26, s14;
	v26 =	vld [tilespmem:s15+$0x0];
	v11 =	vmul.f32 $1.442695020e+00, v19;
	(erf) = vpow2.f32 v24  }
0x12c: {  	s2 =	sor.u32 s28, s12;
	s14 =	sadd.s32 $0x3400, s0;
	v20 =	vld [tilespmem:s4+$0x0];
	v1 =	vadd.f32 v1, v13;
	(erf) = vpow2.f32 v23;
	v10 =	vpop (erf);
	v13 =	vadd.f32 v16, v14  }
0x12d: {  	s30 =	sor.u32 $0x10, s11;
	s16 =	sor.u32 s11, s14;
	v18 =	vld [tilespmem:s2+$0x0];
	v16 =	vpop (erf)  }
0x12e: {  	s1 =	sor.u32 s30, s1;
	s3 =	sadd.s32 $0x2E00, s0;
	v12 =	vmul.f32 $1.442695020e+00, v12;
	v24 =	vld [tilespmem:s16+$0x0];
	v1 =	vadd.f32 v7, v1;
	v7 =	vadd.f32 v16, v13  }
0x12f: {  	v3 =	vsub.f32 v5, v3;
	s2 =	sadd.s32 $0x4800, s0;
	s10 =	sor.u32 s30, s3;
	v9 =	vmul.f32 $1.442695020e+00, v9;
	v27 =	vld [tilespmem:s1+$0x0];
	v5 =	vmul.f32 $1.442695020e+00, v22  }
0x130: {  	s31 =	sadd.s32 $0x3000, s0;
	s21 =	sor.u32 s11, s2;
	v22 =	vld [tilespmem:s10+$0x0];
	(erf) = vpow2.f32 v11;
	v11 =	vpop (erf);
	v13 =	vmul.f32 $1.442695020e+00, v17  }
0x131: {  	s22 =	sadd.s32 $0x2C00, s0;
	s23 =	sor.u32 s11, s31;
	v15 =	vld [tilespmem:s21+$0x0];
	v19 =	vadd.f32 v25, v1;
	v14 =	vadd.f32 v4, v21;
	v4 =	vmin.f32 v2, v4;
	v16 =	vpop (erf)  }
0x132: {  	s24 =	sor.u32 s11, s22;
	v21 =	vld [tilespmem:s23+$0x0];
	(erf) = vpow2.f32 v5;
	v1 =	vmin.f32 v4, v3;
	v5 =	vadd.f32 v16, v7;
	v7 =	vpop (erf)  }
0x133: {  	s6 =	sadd.s32 $0x4000, s0;
	s8 =	sor.u32 s30, s18;
	v4 =	vshll.u32 v20, $0x9;
	v6 =	vadd.f32 v6, v19;
	v2 =	vadd.f32 v3, v14;
	v14 =	vld [tilespmem:s24+$0x0];
	v20 =	vpop (erf)  }
0x134: {  	s9 =	sor.u32 s11, s6;
	v17 =	vld [tilespmem:s8+$0x0];
	v3 =	vshll.u32 v26, $0x9;
	(erf) = vpow2.f32 v13;
	v5 =	vadd.f32 v20, v5;
	v13 =	vpop (erf)  }
0x135: {  	s10 =	sadd.s32 $0x3A00, s0;
	v18 =	vmul.f32 $1.442695020e+00, v18;
	v4 =	vor.u32 s26, v4;
	s8 =	sor.u32 s30, s14;
	v3 =	vor.u32 s28, v3;
	v16 =	vld [tilespmem:s9+$0x0];
	v19 =	vpop (erf)  }
0x136: {  	s13 =	sadd.s32 $0x3200, s0;
	s15 =	sor.u32 s30, s10;
	v25 =	vld [tilespmem:s8+$0x0];
	v4 =	vadd.s32 s25, v4;
	v6 =	vadd.f32 v7, v6;
	v7 =	vadd.f32 v19, v5  }
0x137: {  	s5 =	sadd.s32 $0x4E00, s0;
	s9 =	sor.u32 s11, s13;
	v3 =	vadd.s32 s25, v3;
	v21 =	vmul.f32 $1.442695020e+00, v21;
	(erf) = vpow2.f32 v9;
	v9 =	vld [tilespmem:s15+$0x0]  }
0x138: {  	s12 =	sor.u32 s30, s5;
	v23 =	vld [tilespmem:s9+$0x0];
	(erf) = vpow2.f32 v12;
	v6 =	vadd.f32 v13, v6;
	v13 =	vand.u32 $0x7FFFFF, v7  }
0x139: {  	s17 =	sor.u32 s11, s10;
	s23 =	sadd.s32 $0x3600, s0;
	v28 =	vmul.f32 $1.442695020e+00, v17;
	v20 =	vld [tilespmem:s12+$0x0];
	v5 =	vmul.f32 $1.442695020e+00, v15;
	v15 =	vpop (erf);
	v13 =	vor.u32 $0x3F800000, v13  }
0x13a: {  	s18 =	sadd.s32 $0x2A00, s0;
	s25 =	sor.u32 s30, s23;
	v19 =	vmul.f32 $1.442695020e+00, v16;
	v16 =	vld [tilespmem:s17+$0x0];
	v6 =	vadd.f32 v15, v6;
	v12 =	vadd.f32 $1.000000000e+00, v13  }
0x13b: {  	s19 =	sor.u32 s30, s18;
	(erf) = vpow2.f32 v18;
	v17 =	vmul.f32 $1.442695020e+00, v25;
	v25 =	vld [tilespmem:s25+$0x0];
	v26 =	vpop (erf)  }
0x13c: {  	s4 =	sor.u32 s30, s13;
	v18 =	vadd.f32 v26, v6;
	v6 =	vmul.f32 $1.442695020e+00, v9;
	(erf) = vrcp.f32 v12;
	v12 =	vld [tilespmem:s19+$0x0]  }
0x13d: {  	s7 =	sor.u32 s30, s22;
	v26 =	vpop (erf);
	v9 =	vmul.f32 $1.442695020e+00, v22;
	v22 =	vmul.f32 $1.442695020e+00, v24;
	v24 =	vld [tilespmem:s4+$0x0]  }
0x13e: {  	s21 =	sor.u32 s11, s18;
	v15 =	vld [tilespmem:s7+$0x0];
	v18 =	vadd.f32 v26, v18  }
0x13f: {  	s6 =	sor.u32 s30, s6;
	(erf) = vpow2.f32 v21;
	v21 =	vmul.f32 $1.442695020e+00, v16;
	v16 =	vld [tilespmem:s21+$0x0]  }
0x140: {  	s7 =	sadd.s32 $0x3C00, s0;
	v31 =	vmul.f32 $1.442695020e+00, v25;
	v25 =	vld [tilespmem:s6+$0x0];
	s4 =	sor.u32 s11, s23;
	v11 =	vadd.f32 v11, v18  }
0x141: {  	s24 =	sor.u32 s30, s7;
	v58 =	vld [tilespmem:s4+$0x0];
	v18 =	vshll.u32 v20, $0x9;
	(erf) = vpow2.f32 v22;
	v12 =	vmul.f32 $1.442695020e+00, v12  }
0x142: {  	s26 =	sor.u32 s11, s3;
	v20 =	vld [tilespmem:s24+$0x0];
	v8 =	vadd.f32 v8, v11;
	v11 =	vmul.f32 $1.442695020e+00, v24;
	(erf) = vpow2.f32 v17  }
0x143: {  	s20 =	sadd.s32 $0x3800, s0;
	s10 =	sor.u32 s11, s5;
	v26 =	vld [tilespmem:s26+$0x0];
	v15 =	vmul.f32 $1.442695020e+00, v15;
	(erf) = vpow2.f32 v12  }
0x144: {  	s22 =	sor.u32 s30, s20;
	s12 =	sadd.s32 $0x3E00, s0;
	v17 =	vpop (erf);
	v8 =	vadd.f32 v10, v8;
	v10 =	vmul.f32 $1.442695020e+00, v16;
	v16 =	vld [tilespmem:s10+$0x0];
	(erf) = vpow2.f32 v11  }
0x145: {  	s28 =	sadd.s32 $0x4200, s0;
	v14 =	vmul.f32 $1.442695020e+00, v14;
	s15 =	sor.u32 s30, s12;
	v7 =	vshra.s32 v7, $0x17;
	v22 =	vld [tilespmem:s22+$0x0];
	v12 =	vpop (erf);
	(erf) = vpow2.f32 v15  }
0x146: {  	s14 =	sadd.s32 $0x4A00, s0;
	s13 =	sor.u32 s30, s28;
	v29 =	vadd.s32 $0xFFFFFF81, v7;
	v15 =	vld [tilespmem:s15+$0x0];
	v12 =	vadd.f32 v12, v17;
	v17 =	vpop (erf);
	(erf) = vpow2.f32 v10  }
0x147: {  	s16 =	sor.u32 s11, s14;
	v13 =	vadd.f32 $-1.000000000e+00, v13;
	v24 =	vmul.f32 $1.442695020e+00, v27;
	v27 =	vld [tilespmem:s13+$0x0];
	v11 =	vmul.f32 $1.442695020e+00, v20  }
0x148: {  	v20 =	vld [tilespmem:s16+$0x0];
	v7 =	vpop (erf);
	v30 =	vadd.f32 v17, v8;
	v17 =	vmul.f32 $1.442695020e+00, v26;
	(erf) = vpow2.f32 v14  }
0x149: {  	v23 =	vmul.f32 $1.442695020e+00, v23;
	s19 =	sor.u32 s11, s20;
	v14 =	vshll.u32 v16, $0x9;
	v56 =	vpop (erf)  }
0x14a: {  	s17 =	sadd.s32 $0x4400, s0;
	v16 =	vld [tilespmem:s19+$0x0];
	v8 =	vmul.f32 v7, v13;
	v13 =	vor.u32 s30, v18;
	v57 =	vpop (erf);
	(erf) = vpow2.f32 v17  }
0x14b: {  	s18 =	sor.u32 s30, s17;
	v34 =	vmul.f32 $1.442695020e+00, v58;
	v59 =	vadd.s32 s0, v13;
	v13 =	vmul.f32 $1.442695020e+00, v15;
	v15 =	vpop (erf)  }
0x14c: {  	s20 =	sadd.s32 $0x4600, s0;
	v22 =	vmul.f32 $1.442695020e+00, v22;
	v10 =	vmul.f32 $1.442695020e+00, v27;
	v18 =	vld [tilespmem:s18+$0x0];
	v14 =	vor.u32 s11, v14;
	v39 =	vpop (erf)  }
0x14d: {  	s21 =	sor.u32 s30, s20;
	v36 =	vadd.s32 s0, v14;
	v17 =	vmul.f32 $1.442695020e+00, v20;
	v14 =	vmul.f32 $1.442695020e+00, v25;
	v20 =	vpop (erf)  }
0x14e: {  	v40 =	vld [tilespmem:s21+$0x0];
	s22 =	sor.u32 s11, s7;
	v37 =	vshra.s32 v30, $0x17;
	v7 =	vmul.f32 v8, v8;
	(erf) = vpow2.f32 v23;
	v27 =	vpop (erf)  }
0x14f: {  	s23 =	sor.u32 s30, s2;
	v26 =	vand.u32 $0x7FFFFF, v30;
	v23 =	vld [tilespmem:s22+$0x0];
	(erf) = vpow2.f32 v22;
	v30 =	vmul.f32 $1.442695020e+00, v16;
	v16 =	vpop (erf)  }
0x150: {  	s24 =	sor.u32 s11, s28;
	v22 =	vld [tilespmem:s23+$0x0];
	v38 =	vmul.f32 $1.111111120e-01, v7;
	(erf) = vpow2.f32 v24;
	v12 =	vadd.f32 v16, v12  }
0x151: {  	v25 =	vor.u32 $0x3F800000, v26;
	v24 =	vld [tilespmem:s24+$0x0];
	v26 =	vmul.f32 $1.442695020e+00, v18;
	(erf) = vpow2.f32 v28;
	v28 =	vpop (erf)  }
0x152: {  	s25 =	sor.u32 s30, s31;
	v18 =	vadd.f32 $-1.000000000e+00, v25;
	(erf) = vpow2.f32 v30;
	v12 =	vadd.f32 v28, v12  }
0x153: {  	v25 =	vadd.f32 $1.000000000e+00, v25;
	v30 =	vmul.f32 $1.442695020e+00, v40;
	v16 =	vcvt.s32.f32 v29;
	v29 =	vld [tilespmem:s25+$0x0];
	v61 =	vpop (erf)  }
0x154: {  	s26 =	sor.u32 s11, s12;
	v23 =	vmul.f32 $1.442695020e+00, v23;
	(erf) = vpow2.f32 v34;
	v12 =	vadd.f32 v61, v12  }
0x155: {  	v60 =	vld [tilespmem:s26+$0x0];
	v38 =	vadd.f32 $1.428571490e-01, v38;
	(erf) = vrcp.f32 v25;
	v28 =	vmul.f32 $1.442695020e+00, v22  }
0x156: {  	(erf) = vpow2.f32 v30;
	v30 =	vmul.f32 $1.442695020e+00, v24;
	v32 =	vadd.f32 v56, v12  }
0x157: {  	v22 =	vadd.s32 $0xFFFFFF81, v37;
	v24 =	vmul.f32 v38, v7;
	(erf) = vpow2.f32 v21;
	v21 =	vpop (erf)  }
0x158: {  	(erf) = vpow2.f32 v9;
	v9 =	vmul.f32 $1.442695020e+00, v29;
	v29 =	vadd.f32 v21, v32  }
0x159: {  	v4 =	vor.u32 v0, v4;
	v3 =	vor.u32 v0, v3;
	v25 =	vpop (erf);
	(erf) = vpow2.f32 v31  }
0x15a: {  	v62 =	vadd.f32 $2.000000030e-01, v24;
	v31 =	vmul.f32 $1.442695020e+00, v60;
	(erf) = vpow2.f32 v23;
	v23 =	vpop (erf)  }
0x15b: {  	s28 =	sor.u32 s30, s14;
	v12 =	vor.u32 v0, v59;
	v21 =	vcvt.s32.f32 v22;
	v22 =	vpop (erf);
	(erf) = vpow2.f32 v9  }
0x15c: {  	s30 =	sor.u32 s11, s17;
	v24 =	vld [tilespmem:s28+$0x0];
	v23 =	vadd.f32 v22, v23;
	(erf) = vpow2.f32 v31;
	v33 =	vadd.f32 v57, v29;
	v29 =	vpop (erf)  }
0x15d: {  	s31 =	sor.u32 s11, s20;
	v32 =	vld [tilespmem:s30+$0x0];
	v9 =	vor.u32 v0, v36;
	v22 =	vmul.f32 v62, v7;
	(erf) = vpow2.f32 v30;
	v63 =	vpop (erf)  }
0x15e: {  	s25 =	simm.s32 $0x2;
	v31 =	vld [tilespmem:s31+$0x0];
	(erf) = vpow2.f32 v19;
	v30 =	vadd.f32 v63, v33;
	v33 =	vadd.f32 v39, v23;
	v19 =	vpop (erf)  }
.LBB2_5:
0x15f: {  	v23 =	vpop (erf)  }
0x160: {  	s25 =	sadd.s32 $0x2, s25;
	(erf) = vpow2.f32 v28;
	v28 =	vadd.f32 v29, v30;
	v30 =	vpop (erf)  }
0x161: {  	s29 =	sadd.s32 $0x20, s29;
	s0 =	sshll.u32 s25, $0x4;
	v27 =	vadd.f32 v27, v33;
	v42 =	vpop (erf)  }
0x162: {  	v19 =	vmul.f32 v19, v18;
	s28 =	sand.u32 $0x60, s29;
	s26 =	sand.u32 $0xFFFFFF80, s0;
	v18 =	vadd.f32 v30, v28;
	v29 =	vpop (erf);
	v34 =	vmul.f32 $1.442695020e+00, v32  }
0x163: {  	s15 =	simm.s32 $0x2600;
	s0 =	sor.u32 $0x10, s28;
	s1 =	sadd.s32 $0x2600, s26;
	v27 =	vadd.f32 v42, v27;
	v30 =	vpop (erf)  }
0x164: {  	s7 =	sadd.s32 $0x3000, s26;
	s8 =	sadd.s32 $0x3600, s26;
	v31 =	vmul.f32 $1.442695020e+00, v31;
	s17 =	sor.u32 s28, s1;
	v43 =	vadd.f32 v30, v18;
	v18 =	vld.idx.msk [tilespmem:v3+s15+$0x0], $0xffff;
	(erf) = vpow2.f32 v34  }
0x165: {  	s9 =	sor.u32 s28, s7;
	s21 =	sor.u32 s0, s7;
	s7 =	sor.u32 s28, s8;
	v28 =	vpop (erf);
	v3 =	vmov v12;
	v12 =	vld [tilespmem:s17+$0x0];
	(erf) = vpow2.f32 v26;
	v26 =	vmul.f32 v19, v19  }
0x166: {  	v38 =	vld [tilespmem:s7+$0x0];
	v27 =	vadd.f32 v28, v27;
	v28 =	vpop (erf);
	(erf) = vpow2.f32 v31  }
0x167: {  	s4 =	sadd.s32 $0x2800, s26;
	v28 =	vadd.f32 v28, v43;
	v30 =	vpop (erf);
	(erf) = vpow2.f32 v6;
	v31 =	vmul.f32 $1.111111120e-01, v26  }
0x168: {  	s5 =	sadd.s32 $0x2C00, s26;
	s18 =	sor.u32 s28, s4;
	v6 =	vmul.f32 $6.931471820e-01, v16;
	v16 =	vadd.f32 v20, v27;
	v20 =	vpop (erf);
	(erf) = vpow2.f32 v5  }
0x169: {  	s10 =	sor.u32 s28, s5;
	s5 =	sor.u32 s0, s5;
	v24 =	vmul.f32 $1.442695020e+00, v24;
	v44 =	vld [tilespmem:s18+$0x0];
	v20 =	vadd.f32 v20, v28;
	(erf) = vpow2.f32 v11  }
0x16a: {  	s30 =	sadd.s32 $0x4800, s26;
	v50 =	vld [tilespmem:s5+$0x0];
	v12 =	vmul.f32 $1.442695020e+00, v12;
	v27 =	vadd.f32 $1.428571490e-01, v31;
	(erf) = vpow2.f32 v17  }
0x16b: {  	s3 =	sadd.s32 $0x4000, s26;
	s19 =	sor.u32 s28, s30;
	v28 =	vld [tilespmem:s10+$0x0];
	v57 =	vmul.f32 $1.442695020e+00, v38;
	v15 =	vadd.f32 v15, v16;
	v17 =	vadd.f32 v8, v8  }
0x16c: {  	s13 =	sadd.s32 $0x2A00, s26;
	s20 =	sor.u32 s28, s3;
	v5 =	vld [tilespmem:s19+$0x0];
	v11 =	vpop (erf);
	v16 =	vadd.f32 v30, v20;
	(erf) = vpow2.f32 v13;
	v13 =	vmul.f32 v27, v26  }
0x16d: {  	s18 =	sor.u32 s0, s13;
	v20 =	vmul.f32 $6.931471820e-01, v21;
	v27 =	vadd.f32 v19, v19;
	v19 =	vld [tilespmem:s20+$0x0];
	s20 =	sadd.s32 $0x4200, s26;
	v15 =	vadd.f32 v29, v15;
	v21 =	vpop (erf)  }
0x16e: {  	v31 =	vld [tilespmem:s9+$0x0];
	s9 =	sor.u32 s28, s13;
	s13 =	sor.u32 s0, s20;
	s20 =	sor.u32 s28, s20;
	(erf) = vpow2.f32 v14;
	v13 =	vadd.f32 $2.000000030e-01, v13;
	v16 =	vadd.f32 v21, v16;
	v29 =	vpop (erf)  }
0x16f: {  	s4 =	sor.u32 s0, s4;
	v30 =	vadd.f32 v25, v15;
	v25 =	vmul.f32 $1.442695020e+00, v44;
	v56 =	vld [tilespmem:s20+$0x0];
	v21 =	vadd.f32 $3.333333430e-01, v22;
	v22 =	vpop (erf)  }
0x170: {  	s6 =	sadd.s32 $0x4E00, s26;
	v8 =	vld [tilespmem:s4+$0x0];
	v28 =	vmul.f32 $1.442695020e+00, v28;
	(erf) = vpow2.f32 v10;
	v45 =	vadd.f32 v22, v16;
	v22 =	vpop (erf)  }
0x171: {  	s12 =	sadd.s32 $0x2E00, s26;
	s14 =	sor.u32 s0, s6;
	v10 =	vld.idx.msk [tilespmem:v4+s15+$0x0], $0xffff;
	v4 =	vmul.f32 v13, v26;
	(erf) = vpow2.f32 v12;
	v12 =	vadd.f32 v22, v30;
	v15 =	vpop (erf)  }
0x172: {  	s23 =	sadd.s32 $0x3C00, s26;
	s22 =	sor.u32 s0, s12;
	v5 =	vmul.f32 $1.442695020e+00, v5;
	v13 =	vld [tilespmem:s14+$0x0];
	v7 =	vmul.f32 v21, v7;
	v15 =	vadd.f32 v15, v45;
	v16 =	vpop (erf)  }
0x173: {  	s16 =	sadd.s32 $0x3200, s26;
	s24 =	sor.u32 s28, s23;
	v14 =	vld [tilespmem:s22+$0x0];
	v19 =	vmul.f32 $1.442695020e+00, v19;
	v46 =	vadd.f32 $3.333333430e-01, v4;
	v12 =	vadd.f32 v16, v12;
	v16 =	vpop (erf)  }
0x174: {  	s31 =	sor.u32 s28, s16;
	[dreg:$0x4] =	wrdreg s21;
	s21 =	sadd.s32 $0x3800, s26;
	v21 =	vld [tilespmem:s24+$0x0];
	v7 =	vadd.f32 $1.000000000e+00, v7;
	v59 =	vmul.f32 $1.442695020e+00, v56;
	v15 =	vadd.f32 v16, v15  }
0x175: {  	s17 =	sor.u32 s0, s16;
	s16 =	sor.u32 s28, s21;
	s4 =	sadd.s32 $0x3400, s26;
	v30 =	vld [tilespmem:s31+$0x0];
	v26 =	vmul.f32 v46, v26;
	v16 =	vpop (erf);
	(erf) = vpow2.f32 v25  }
0x176: {  	s15 =	sadd.s32 $0x3A00, s26;
	s31 =	sor.u32 s28, s4;
	v22 =	vld [tilespmem:s16+$0x0];
	v7 =	vmul.f32 v7, v17;
	v12 =	vadd.f32 v16, v12;
	v16 =	vand.u32 $0x7FFFFF, v15  }
0x177: {  	s24 =	sor.u32 s28, s15;
	v4 =	vmovc v9;
	v9 =	vld [tilespmem:s31+$0x0];
	v13 =	vshll.u32 v13, $0x9;
	v25 =	vadd.f32 $1.000000000e+00, v26;
	v16 =	vor.u32 $0x3F800000, v16  }
0x178: {  	s4 =	sor.u32 s0, s4;
	v48 =	vld [tilespmem:s24+$0x0];
	v17 =	vpop (erf);
	v6 =	vadd.f32 v7, v6;
	v7 =	vmul.f32 $1.442695020e+00, v31;
	v31 =	vadd.f32 $1.000000000e+00, v16  }
0x179: {  	s24 =	sor.u32 s0, s21;
	v26 =	vld [tilespmem:s4+$0x0];
	v12 =	vadd.f32 v17, v12;
	v25 =	vmul.f32 v25, v27;
	v49 =	vpop (erf);
	(erf) = vpow2.f32 v24  }
0x17a: {  	v21 =	vmul.f32 $1.442695020e+00, v21;
	v17 =	vld [tilespmem:s24+$0x0];
	v10 =	vsub.f32 v6, v10;
	v51 =	vpop (erf);
	(erf) = vrcp.f32 v31  }
0x17b: {  	v12 =	vadd.f32 v49, v12;
	v20 =	vadd.f32 v25, v20;
	v25 =	vld [tilespmem:s18+$0x0];
	(erf) = vpow2.f32 v7  }
0x17c: {  	s22 =	sor.u32 s0, s1;
	v24 =	vmul.f32 $1.442695020e+00, v14;
	v9 =	vmul.f32 $1.442695020e+00, v9;
	v14 =	vld [tilespmem:s17+$0x0];
	v2 =	vadd.f32 v10, v2  }
0x17d: {  	v22 =	vmul.f32 $1.442695020e+00, v22;
	v27 =	vld [tilespmem:s22+$0x0];
	v12 =	vadd.f32 v29, v12;
	v7 =	vsub.f32 v20, v18  }
0x17e: {  	s24 =	sor.u32 s0, s23;
	v1 =	vmin.f32 v1, v10;
	v10 =	vld [tilespmem:s9+$0x0];
	v26 =	vmul.f32 $1.442695020e+00, v26;
	v18 =	vpop (erf);
	(erf) = vpow2.f32 v9  }
0x17f: {  	s19 =	sor.u32 s28, s12;
	s12 =	sor.u32 s0, s8;
	v20 =	vmul.f32 $1.442695020e+00, v30;
	v12 =	vadd.f32 v23, v12;
	v2 =	vadd.f32 v7, v2;
	v9 =	vld [tilespmem:s24+$0x0]  }
0x180: {  	v23 =	vmul.f32 $1.442695020e+00, v8;
	v1 =	vmin.f32 v1, v7;
	v7 =	vld [tilespmem:s12+$0x0];
	v25 =	vmul.f32 $1.442695020e+00, v25  }
0x181: {  	v14 =	vmul.f32 $1.442695020e+00, v14;
	(erf) = vpow2.f32 v26;
	v11 =	vadd.f32 v11, v12;
	v12 =	vld [tilespmem:s19+$0x0]  }
0x182: {  	s3 =	sor.u32 s0, s3;
	v52 =	vshra.s32 v15, $0x17;
	v8 =	vmul.f32 $1.442695020e+00, v50;
	v15 =	vpop (erf);
	(erf) = vpow2.f32 v25  }
0x183: {  	s6 =	sor.u32 s28, s6;
	v31 =	vadd.f32 v18, v51;
	v26 =	vld [tilespmem:s3+$0x0];
	v10 =	vmul.f32 $1.442695020e+00, v10;
	v18 =	vpop (erf);
	(erf) = vpow2.f32 v14  }
0x184: {  	s1 =	sor.u32 s0, s15;
	s15 =	sadd.s32 $0x4A00, s26;
	v30 =	vmul.f32 $1.442695020e+00, v27;
	v25 =	vld [tilespmem:s6+$0x0];
	v15 =	vadd.f32 v15, v11;
	v55 =	vpop (erf);
	(erf) = vpow2.f32 v8  }
0x185: {  	s10 =	sadd.s32 $0x3E00, s26;
	s16 =	sor.u32 s28, s15;
	v11 =	vmul.f32 $1.442695020e+00, v9;
	v9 =	vor.u32 s0, v13;
	v13 =	vld [tilespmem:s13+$0x0];
	(erf) = vpow2.f32 v10  }
0x186: {  	s11 =	sadd.s32 $0x4400, s26;
	s14 =	sor.u32 s0, s10;
	v54 =	vmul.f32 $1.442695020e+00, v7;
	v7 =	vadd.f32 $-1.000000000e+00, v16;
	v16 =	vld [tilespmem:s16+$0x0];
	v12 =	vmul.f32 $1.442695020e+00, v12  }
0x187: {  	s8 =	sor.u32 s0, s11;
	v14 =	vld [tilespmem:s14+$0x0];
	v10 =	vshra.s32 v15, $0x17;
	v15 =	vand.u32 $0x7FFFFF, v15;
	v35 =	vpop (erf);
	(erf) = vpow2.f32 v28  }
0x188: {  	v27 =	vld [tilespmem:s8+$0x0];
	v8 =	vmul.f32 v18, v7;
	v7 =	vor.u32 $0x3F800000, v15;
	v28 =	vmul.f32 $1.442695020e+00, v17  }
0x189: {  	v37 =	vadd.s32 $0xFFFFFF81, v10;
	v18 =	vadd.f32 $-1.000000000e+00, v7;
	(erf) = vpow2.f32 v12  }
0x18a: {  	s2 =	sadd.s32 $0x4600, s26;
	v47 =	vld [tilespmem:s1+$0x0];
	v36 =	vadd.f32 $1.000000000e+00, v7;
	v7 =	vmul.f32 v8, v8;
	v10 =	vmul.f32 $1.442695020e+00, v13;
	v15 =	vpop (erf)  }
0x18b: {  	s21 =	sor.u32 s0, s2;
	v17 =	vmul.f32 $1.442695020e+00, v16;
	(erf) = vpow2.f32 v20;
	v39 =	vpop (erf)  }
0x18c: {  	v16 =	vshll.u32 v25, $0x9;
	v25 =	vld [tilespmem:s21+$0x0];
	v13 =	vmul.f32 $1.442695020e+00, v14;
	v14 =	vmul.f32 $1.442695020e+00, v26;
	v20 =	vpop (erf)  }
0x18d: {  	v9 =	vadd.s32 s26, v9;
	v26 =	vmul.f32 $1.442695020e+00, v27;
	(erf) = vpow2.f32 v28;
	v27 =	vpop (erf)  }
0x18e: {  	s1 =	sor.u32 s0, s30;
	v12 =	vor.u32 v0, v9;
	v9 =	vmul.f32 $1.111111120e-01, v7;
	v41 =	vpop (erf);
	(erf) = vpow2.f32 v30  }
0x18f: {  	s10 =	sor.u32 s28, s10;
	s30 =	sor.u32 s0, s15;
	v6 =	vmul.f32 $1.442695020e+00, v47;
	v28 =	vld [tilespmem:s1+$0x0];
	v30 =	vadd.f32 v41, v31;
	(erf) = vpow2.f32 v23  }
0x190: {  	s15 =	sor.u32 s28, s11;
	s2 =	sor.u32 s28, s2;
	v40 =	vadd.f32 $1.428571490e-01, v9;
	v9 =	vor.u32 s28, v16;
	s28 =	rddreg [dreg:$0x4];
	v58 =	vpop (erf);
	(erf) = vpow2.f32 v22  }
0x191: {  	v25 =	vmul.f32 $1.442695020e+00, v25;
	v23 =	vld [tilespmem:s28+$0x0];
	v30 =	vadd.f32 v58, v30;
	(erf) = vpow2.f32 v57  }
0x192: {  	v53 =	vadd.s32 $0xFFFFFF81, v52;
	v29 =	vmul.f32 $1.442695020e+00, v48;
	v22 =	vld [tilespmem:s10+$0x0];
	v31 =	vpop (erf);
	(erf) = vrcp.f32 v36  }
0x193: {  	v16 =	vcvt.s32.f32 v53;
	v30 =	vadd.f32 v31, v30;
	(erf) = vpow2.f32 v25  }
0x194: {  	v28 =	vmul.f32 $1.442695020e+00, v28;
	v31 =	vpop (erf);
	(erf) = vpow2.f32 v29  }
0x195: {  	v29 =	vmul.f32 v40, v7;
	v60 =	vadd.f32 v55, v30;
	(erf) = vpow2.f32 v24  }
0x196: {  	p0 =	slt.u32 s25, $0x1E;
	v9 =	vadd.s32 s26, v9;
	v23 =	vmul.f32 $1.442695020e+00, v23;
	v25 =	vpop (erf);
	(erf) = vpow2.f32 v54  }
.Ltmp1:
0x197: {  	v61 =	vmul.f32 $1.442695020e+00, v22;
	v62 =	vadd.f32 v31, v60;
	(erf) = vpow2.f32 v21;
	v30 =	vpop (erf);
	(pc) =	sbr.rel @p0 .LBB2_5-.Ltmp1, $4  }
0x198: {  	v22 =	vadd.f32 $2.000000030e-01, v29;
	v21 =	vcvt.s32.f32 v37;
	v31 =	vpop (erf);
	(erf) = vpow2.f32 v23  }
0x199: {  	v32 =	vld [tilespmem:s15+$0x0];
	v23 =	vadd.f32 v35, v62;
	v63 =	vadd.f32 v31, v30;
	v29 =	vpop (erf);
	(erf) = vpow2.f32 v61  }
0x19a: {  	v9 =	vor.u32 v0, v9;
	v24 =	vld [tilespmem:s30+$0x0];
	v22 =	vmul.f32 v22, v7;
	v30 =	vpop (erf);
	(erf) = vpow2.f32 v59  }
0x19b: {  	v31 =	vld [tilespmem:s2+$0x0];
	v30 =	vadd.f32 v30, v23;
	v33 =	vadd.f32 v39, v63;
	(erf) = vpow2.f32 v19;
	v19 =	vpop (erf)  }
0x19c: {  	_ = 	snop  }
0x19d: {  	v23 =	vpop (erf)  }
0x19e: {  	v34 =	vpop (erf);
	v32 =	vmul.f32 $1.442695020e+00, v32  }
0x19f: {  	(erf) = vpow2.f32 v28;
	v27 =	vadd.f32 v27, v33;
	v52 =	vpop (erf)  }
0x1a0: {  	v53 =	vpop (erf);
	v31 =	vmul.f32 $1.442695020e+00, v31;
	(erf) = vpow2.f32 v32  }
0x1a1: {  	v27 =	vadd.f32 v52, v27;
	v54 =	vpop (erf);
	(erf) = vpow2.f32 v26  }
0x1a2: {  	v55 =	vpop (erf);
	(erf) = vpow2.f32 v31  }
0x1a3: {  	v26 =	vadd.f32 v55, v27;
	(erf) = vpow2.f32 v6  }
0x1a4: {  	(erf) = vpow2.f32 v5  }
0x1a5: {  	v56 =	vpop (erf);
	v57 =	vadd.f32 v20, v26;
	(erf) = vpow2.f32 v11  }
0x1a6: {  	v58 =	vpop (erf);
	(erf) = vpow2.f32 v17  }
0x1a7: {  	v59 =	vpop (erf);
	v6 =	vadd.f32 v15, v57;
	(erf) = vpow2.f32 v13  }
0x1a8: {  	v60 =	vpop (erf)  }
0x1a9: {  	v61 =	vadd.f32 v29, v30;
	v6 =	vadd.f32 v53, v6;
	(erf) = vpow2.f32 v14;
	v62 =	vpop (erf)  }
0x1aa: {  	v63 =	vpop (erf)  }
0x1ab: {  	v15 =	vadd.f32 v34, v61;
	v6 =	vadd.f32 v25, v6;
	(erf) = vpow2.f32 v10;
	v29 =	vpop (erf)  }
0x1ac: {  	v30 =	vpop (erf)  }
0x1ad: {  	v15 =	vadd.f32 v54, v15;
	v6 =	vadd.f32 v30, v6;
	v31 =	vpop (erf)  }
0x1ae: {  	v32 =	vpop (erf)  }
0x1af: {  	v5 =	vadd.f32 v56, v15;
	v6 =	vadd.f32 v32, v6;
	v33 =	vpop (erf)  }
0x1b0: {  	v34 =	vpop (erf)  }
0x1b1: {  	v35 =	vmul.f32 $1.442695020e+00, v24;
	v5 =	vadd.f32 v59, v5;
	v6 =	vadd.f32 v34, v6  }
0x1b2: {  	v36 =	vpop (erf)  }
0x1b3: {  	v5 =	vadd.f32 v58, v5;
	(erf) = vpow2.f32 v35;
	v6 =	vadd.f32 v36, v6  }
0x1b4: {  	v37 =	vpop (erf)  }
0x1b5: {  	v5 =	vadd.f32 v62, v5;
	v6 =	vadd.f32 v37, v6;
	_ =	sdelay $0x1  }
0x1b6: {  	v5 =	vadd.f32 v29, v5;
	v6 =	vadd.f32 v63, v6;
	_ =	sdelay $0x1  }
0x1b7: {  	v5 =	vadd.f32 v31, v5;
	v6 =	vadd.f32 v23, v6;
	_ =	sdelay $0x1  }
0x1b8: {  	v5 =	vadd.f32 v33, v5;
	v6 =	vadd.f32 v60, v6  }
0x1b9: {  	v38 =	vpop (erf)  }
0x1ba: {  	v39 =	vand.u32 $0x7FFFFF, v5;
	v6 =	vadd.f32 v38, v6  }
0x1bb: {  	v40 =	vor.u32 $0x3F800000, v39  }
0x1bc: {  	v11 =	vadd.f32 $1.000000000e+00, v40;
	v41 =	vand.u32 $0x7FFFFF, v6  }
0x1bd: {  	v13 =	vor.u32 $0x3F800000, v41  }
0x1be: {  	(erf) = vrcp.f32 v11;
	v42 =	vadd.f32 $1.000000000e+00, v13;
	_ =	sdelay $0x1  }
0x1bf: {  	(erf) = vrcp.f32 v42;
	_ =	sdelay $0x4  }
0x1c0: {  	v43 =	vmul.f32 v19, v18  }
0x1c1: {  	v10 =	vadd.f32 $-1.000000000e+00, v40  }
0x1c2: {  	v44 =	vmul.f32 v43, v43;
	v46 =	vpop (erf)  }
0x1c3: {  	v13 =	vadd.f32 $-1.000000000e+00, v13;
	v10 =	vmul.f32 v46, v10  }
0x1c4: {  	v45 =	vmul.f32 $1.111111120e-01, v44;
	v47 =	vpop (erf)  }
0x1c5: {  	v48 =	vmul.f32 v10, v10;
	v13 =	vmul.f32 v47, v13  }
0x1c6: {  	v22 =	vadd.f32 $3.333333430e-01, v22;
	v15 =	vadd.f32 $1.428571490e-01, v45  }
0x1c7: {  	v49 =	vmul.f32 $1.111111120e-01, v48;
	v50 =	vmul.f32 v13, v13  }
0x1c8: {  	v7 =	vmul.f32 v22, v7;
	v15 =	vmul.f32 v15, v44  }
0x1c9: {  	v8 =	vadd.f32 v8, v8;
	v17 =	vadd.f32 $1.428571490e-01, v49;
	v51 =	vmul.f32 $1.111111120e-01, v50  }
0x1ca: {  	s0 =	simm.s32 $0x2600;
	v7 =	vadd.f32 $1.000000000e+00, v7;
	v15 =	vadd.f32 $2.000000030e-01, v15  }
0x1cb: {  	v16 =	vmul.f32 $6.931471820e-01, v16;
	v4 =	vld.idx.msk [tilespmem:v4+s0+$0x0], $0xffff;
	v17 =	vmul.f32 v17, v48;
	v20 =	vadd.f32 $1.428571490e-01, v51  }
0x1cc: {  	v7 =	vmul.f32 v7, v8;
	v15 =	vmul.f32 v15, v44  }
0x1cd: {  	v17 =	vadd.f32 $2.000000030e-01, v17;
	v20 =	vmul.f32 v20, v50  }
0x1ce: {  	v7 =	vadd.f32 v7, v16;
	v15 =	vadd.f32 $3.333333430e-01, v15  }
0x1cf: {  	v17 =	vmul.f32 v17, v48;
	v20 =	vadd.f32 $2.000000030e-01, v20  }
0x1d0: {  	v52 =	vmul.f32 $6.931471820e-01, v21;
	v4 =	vsub.f32 v7, v4;
	v14 =	vmul.f32 v15, v44  }
0x1d1: {  	v5 =	vshra.s32 v5, $0x17;
	v54 =	vadd.f32 $3.333333430e-01, v17;
	v55 =	vmul.f32 v20, v50  }
0x1d2: {  	v53 =	vadd.f32 $1.000000000e+00, v14;
	v5 =	vadd.s32 $0xFFFFFF81, v5;
	v11 =	vadd.f32 v43, v43  }
0x1d3: {  	v3 =	vld.idx.msk [tilespmem:v3+s0+$0x0], $0xffff;
	v6 =	vshra.s32 v6, $0x17;
	v56 =	vmul.f32 v54, v48;
	v57 =	vadd.f32 $3.333333430e-01, v55  }
0x1d4: {  	v5 =	vcvt.s32.f32 v5;
	v8 =	vmul.f32 v53, v11;
	v6 =	vadd.s32 $0xFFFFFF81, v6  }
0x1d5: {  	v58 =	vadd.f32 v10, v10;
	v59 =	vadd.f32 $1.000000000e+00, v56;
	v60 =	vmul.f32 v57, v50  }
0x1d6: {  	v9 =	vld.idx.msk [tilespmem:v9+s0+$0x0], $0xffff;
	v5 =	vmul.f32 $6.931471820e-01, v5;
	v8 =	vadd.f32 v8, v52;
	v6 =	vcvt.s32.f32 v6  }
0x1d7: {  	v13 =	vadd.f32 v13, v13;
	v7 =	vmul.f32 v59, v58;
	v61 =	vadd.f32 $1.000000000e+00, v60  }
0x1d8: {  	v2 =	vadd.f32 v4, v2;
	v62 =	vld.idx.msk [tilespmem:v12+s0+$0x0], $0xffff;
	v3 =	vsub.f32 v8, v3  }
0x1d9: {  	v6 =	vmul.f32 $6.931471820e-01, v6;
	v5 =	vadd.f32 v7, v5;
	v63 =	vmul.f32 v61, v13  }
0x1da: {  	s31 =	rddreg [dreg:$0xe];
	v2 =	vadd.f32 v3, v2  }
0x1db: {  	s14 =	rddreg [dreg:$0xd];
	p0 =	sne.s32 s31, $0x7;
	v5 =	vsub.f32 v5, v9;
	v6 =	vadd.f32 v63, v6  }
0x1dc: {  	s0 =	sshll.u32 @!p0 s14, $0x5;
	s14 =	sadd.s32 $0x1, s14  }
0x1dd: {  	p1 =	sne.s32 s14, $0x18;
	v2 =	vadd.f32 v5, v2;
	v6 =	vsub.f32 v6, v62  }
.Ltmp2:
0x1de: {  	v1 =	vmin.f32 v1, v4;
	(pc) =	sbr.rel @p1 .LBB2_2-.Ltmp2, $4  }
0x1df: {  	v3 =	vmin.f32 v1, v3;
	v1 =	vadd.f32 v6, v2  }
0x1e0: {  	s0 =	sand.u32 @!p0 $0x300, s0;
	v2 =	vmin.f32 v3, v5  }
0x1e1: {  	v2 =	vmin.f32 v2, v6;
	[tilespmem:s0+$0x5000] =	vst @!p0 v1  }
0x1e2: {  	s15 =	simm.s32 $0x0;
	s6 =	simm.s32 $0x2600;
	[tilespmem:s0+$0x5080] =	vst @!p0 v2  }
0x1e3: {  	s0 =	simm.s32 $0x1  }
0x1e4: {  	_ =	swait.ge [sflag:s0], $0x2600  }
0x1e5: {  	[sflag:s0] =	ssyncset.done $0x0  }
0x1e6: {  	[sflag:s0] =	ssyncadd.s32 $0xFFFFDA00  }
0x1e7: {  	_ =	swait.ge [sflag:s0], $0x200  }
0x1e8: {  	s1 =	simm.s32 $0x5000;
	[sflag:s0] =	ssyncset.done $0x0  }
0x1e9: {  	s30 =	simm.s32 $0x3;
	s29 =	rddreg [dreg:$0xa];
	[sflag:s0] =	ssyncadd.s32 $0xFFFFFE00  }
0x1ea: {  	[hbm4b:s29+s15] =	stream.linear.scatter [tilespmem:s1], [sflag:$0x3], $0x300, $0x38;
	[tilespmem:$0x5300] =	vst v63  }
0x1eb: {  	_ =	swait.ge [sflag:s30], $0x300  }
0x1ec: {  	s2 =	rddreg [dreg:$0xc]  }
0x1ed: {  	s31 =	rddreg [dreg:$0xb];
	s2 =	sadd.s32 $0x1, s2  }
0x1ee: {  	p0 =	sne.s32 s2, s31  }
.Ltmp3:
0x1ef: {  	_ = 	snop;
	(pc) =	sbr.rel @p0 .LBB2_1-.Ltmp3, $3  }
0x1f0: {  	_ =	sdelay $0x1  }
0x1f1: {  	[sflag:s30] =	ssyncset.done $0x0  }
0x1f2: {  	[sflag:s30] =	ssyncadd.s32 $0xFFFFFD00  }
0x1f3: {  	_ =	sfence.sel $0x180000  }
0x1f4: {  	[bflag:$0x0] =	sbarrier.arrive $0xFFFF  }
0x1f5: {  	_ =	strace $0x90000047  }
0x1f6: {  	s0 =	stileid.u32;
	[bflag:$0x2] =	sbarrier.arrive $0xFFFF  }
0x1f7: {  	p0 =	sne.s32 s0, $0x0;
	s0 =	rddreg [dreg:$0x3]  }
0x1f8: {  	s0 =	sadd.s32 @!p0 $0x100000, s0  }
0x1f9: {  	[sflag:s0] =	ssyncadd.tile.s32 @!p0 $0x1;
	_ =	shalt  }
.Lfunc_end2:
_tile_overlayer_lowered:
.L_overlay_start_2:
0x1fa: {  	(tag) =	ssettag $0x2  }
0x1fb: {  	s0 =	rddreg [dreg:$0x0];
	s2 =	stileid.u32  }
0x1fc: {  	s1 =	rddreg [dreg:$0x1];
	p0 =	sne.s32 s2, $0x0  }
0x1fd: {  	s3 =	rddreg [dreg:$0x2];
	[bflag:$0x3] =	sbarrier.arrive $0xFFFF;
	s2 =	simm.s32 @!p0 $0x1C03  }
0x1fe: {  	[timem:s3], [sflag:s2] =	dma.local @!p0 [hbm:s0], s1  }
0x1ff: {  	s0 =	simm.s32 @!p0 $0x3  }
0x200: {  	_ =	swait.ge @!p0 [sflag:s0], s1  }
0x201: {  	s1 =	ssub.s32 @!p0 $0x0, s1;
	[sflag:s0] =	ssyncset.done @!p0 $0x0  }
0x202: {  	[sflag:s0] =	ssyncadd.s32 @!p0 s1  }
0x203: {  	[bflag:$0x3] =	sbarrier.arrive $0xFFFF  }
0x204: {  	_ =	shalt  }

</sc_bundles>
